<compile_context>
chip_gen: v7x
topology: tpu7x:2x2x1
jax: 0.10.2.dev20260603
libtpu: 0.0.44.dev20260713+nightly
codegen_flags: <defaults>
</compile_context>

<pallas_src>
import functools

import jax
import jax.numpy as jnp
from jax import lax
from jax.experimental import pallas as pl
from jax.experimental.pallas import tpu as pltpu
from jax.experimental.pallas import tpu_sc as plsc

N = 16384
K = 8192
D = 256
BR = 256
CHUNK = 1024
COMMIT = 0.25

FLT_BIG = 1e30


def _argmin_body(x_ref, x2_ref, w2_ref, w_ref, idx_ref, loss_ref,
                 d2_ref, acc_ref):
    x_blk = x_ref[...]
    x2_blk = x2_ref[...]

    NV = CHUNK // 128
    liota128_f = lax.broadcasted_iota(jnp.int32, (BR, 128), 1).astype(jnp.float32)

    run128 = None
    for j in range(K // CHUNK):
        w_blk = w_ref[pl.ds(j * CHUNK, CHUNK), :]
        w2_blk = w2_ref[0, pl.ds(j * CHUNK, CHUNK)]
        mm2 = lax.dot_general(
            x_blk, w_blk,
            dimension_numbers=(((1,), (1,)), ((), ())),
            preferred_element_type=jnp.float32,
        )
        d2 = (x2_blk + w2_blk[None, :]) - mm2
        dist = jnp.sqrt(jnp.maximum(d2, 0.0))
        d2_ref[:, pl.ds(j * CHUNK, CHUNK)] = dist
        fold = dist[:, 0:128]
        for v in range(1, NV):
            fold = jnp.minimum(fold, dist[:, v * 128:(v + 1) * 128])
        run128 = fold if run128 is None else jnp.minimum(run128, fold)

    s = jnp.min(run128, axis=1, keepdims=True)

    run_enc = None
    for j in range(K // CHUNK):
        dist = d2_ref[:, pl.ds(j * CHUNK, CHUNK)]
        enc128 = None
        for v in range(NV):
            ev = jnp.where(dist[:, v * 128:(v + 1) * 128] <= s,
                           jnp.float32(j * CHUNK + v * 128), FLT_BIG)
            enc128 = ev if enc128 is None else jnp.minimum(enc128, ev)
        run_enc = enc128 if run_enc is None else jnp.minimum(run_enc, enc128)

    run_idx_f = jnp.min(run_enc + liota128_f, axis=1, keepdims=True)
    run_min = s * s
    idx_ref[...] = run_idx_f

    part = jnp.sum(run_min)
    i = pl.program_id(0)
    prev = jnp.where(i == 0, 0.0, acc_ref[0])
    total = prev + part
    acc_ref[0] = total
    m = total / jnp.float32(N * D)
    loss_ref[...] = jnp.reshape(m + COMMIT * m, (1, 1))


def _argmin_call(flat, x2, w2, W):
    return pl.pallas_call(
        _argmin_body,
        grid=(N // BR,),
        in_specs=[
            pl.BlockSpec((BR, D), lambda i: (i, 0)),
            pl.BlockSpec((BR, 1), lambda i: (i, 0)),
            pl.BlockSpec((1, K), lambda i: (0, 0)),
            pl.BlockSpec((K, D), lambda i: (0, 0)),
        ],
        out_specs=[
            pl.BlockSpec((BR, 1), lambda i: (i, 0)),
            pl.BlockSpec((1, 1), lambda i: (0, 0)),
        ],
        out_shape=[
            jax.ShapeDtypeStruct((N, 1), jnp.float32),
            jax.ShapeDtypeStruct((1, 1), jnp.float32),
        ],
        scratch_shapes=[
            pltpu.VMEM((BR, K), jnp.float32),
            pltpu.SMEM((1,), jnp.float32),
        ],
        compiler_params=pltpu.CompilerParams(
            dimension_semantics=("arbitrary",),
        ),
    )(flat, x2, w2, W)


ROWS_PER_WORKER = N // 32
GCHUNK = 128


def _gather_body(w_hbm, idx_hbm, out_hbm, idx_v, rows_v, sem):
    wid = lax.axis_index("s") * 2 + lax.axis_index("c")
    for c in range(ROWS_PER_WORKER // GCHUNK):
        base = wid * ROWS_PER_WORKER + c * GCHUNK
        pltpu.sync_copy(idx_hbm.at[pl.ds(base, GCHUNK)], idx_v)
        pltpu.async_copy(w_hbm.at[idx_v], rows_v, sem).wait()
        pltpu.sync_copy(rows_v, out_hbm.at[pl.ds(base, GCHUNK)])


def _gather_call(W, idx):
    mesh = plsc.VectorSubcoreMesh(core_axis_name="c", subcore_axis_name="s")
    f = functools.partial(
        pl.kernel,
        mesh=mesh,
        out_type=jax.ShapeDtypeStruct((N, D), jnp.float32),
        scratch_types=[
            pltpu.VMEM((GCHUNK,), jnp.int32),
            pltpu.VMEM((GCHUNK, D), jnp.float32),
            pltpu.SemaphoreType.DMA,
        ],
    )(_gather_body)
    return f(W, idx)


def kernel(inputs, W):
    flat = inputs.reshape(-1, D)
    x2 = jnp.sum(flat * flat, axis=1, keepdims=True)
    w2 = jnp.sum(W * W, axis=1)
    idx2d, loss2d = _argmin_call(2.0 * flat, x2, w2.reshape(1, K), W)
    idx = idx2d.reshape(N).astype(jnp.int32)
    quantized = _gather_call(W, idx)
    loss = loss2d.reshape(())
    return (quantized, loss, idx)

# --- scband reference (transcript-rebuilt; emitter-appended) ---
"""Pipeline reference for scband-vector-quantizer-32418413150633 (READ-ONLY COPY).

The authoritative reference and input builder live on the scoring server;
editing this copy changes nothing except your own understanding.
"""

import jax, jax.numpy as jnp
import numpy as np

NUM_EMBEDDINGS = 8192
EMBEDDING_DIM = 256
COMMITMENT_COST = 0.25


def setup_inputs(seed: int = 0) -> dict:
    key = jax.random.key(seed)
    k1, k2 = jax.random.split(key)
    inputs = jax.random.normal(k1, (16384, EMBEDDING_DIM), dtype=jnp.float32)
    W = jax.random.uniform(
        k2, (NUM_EMBEDDINGS, EMBEDDING_DIM),
        minval=-1.0 / NUM_EMBEDDINGS, maxval=1.0 / NUM_EMBEDDINGS,
        dtype=jnp.float32,
    )
    return {"inputs": inputs, "W": W}


def reference(inputs, W):
    flat_input = inputs.reshape(-1, EMBEDDING_DIM)
    # torch.cdist (euclidean) via expanded quadratic form
    x2 = jnp.sum(flat_input * flat_input, axis=1, keepdims=True)
    w2 = jnp.sum(W * W, axis=1)
    d2 = x2 + w2[None, :] - 2.0 * (flat_input @ W.T)
    distances = jnp.sqrt(jnp.maximum(d2, 0.0))
    encoding_indices = jnp.argmin(distances, axis=1)
    encodings = jax.nn.one_hot(encoding_indices, NUM_EMBEDDINGS, dtype=jnp.float32)  # faithful to torch (unused)
    quantized = jnp.take(W, encoding_indices, axis=0)
    e_latent_loss = jnp.mean((jax.lax.stop_gradient(quantized) - inputs) ** 2)
    q_latent_loss = jnp.mean((quantized - jax.lax.stop_gradient(inputs)) ** 2)
    loss = q_latent_loss + COMMITMENT_COST * e_latent_loss
    quantized_st = inputs + jax.lax.stop_gradient(quantized - inputs)
    return (quantized_st, loss, encoding_indices)

if __name__ == "__main__":
    import jax
    _d = setup_inputs()
    print(jax.jit(kernel)(*tuple(_d.values())))

</pallas_src>

<mosaic_0001>
#map = affine_map<(d0, d1) -> (0, 0)>
#map1 = affine_map<(d0, d1) -> (0)>
module attributes {stable_mosaic.version = 14 : i64} {
  func.func @_gather_body(%arg0: i32, %arg1: i32, %arg2: memref<8192x256xf32, #tpu.memory_space<hbm>>, %arg3: memref<16384xi32, #tpu.memory_space<hbm>>, %arg4: memref<16384x256xf32, #tpu.memory_space<hbm>>, %arg5: memref<128xi32, #tpu.memory_space<vmem>>, %arg6: memref<128x256xf32, #tpu.memory_space<vmem>>, %arg7: memref<!tpu.dma_semaphore, #tpu.memory_space<semaphore_mem>>) attributes {dimension_semantics = [#tpu.dimension_semantics<core_parallel>, #tpu.dimension_semantics<subcore_parallel>], iteration_bounds = array<i64: 2, 16>, scalar_prefetch = 0 : i64, scratch_operands = 3 : i64, tpu.core_type = #tpu.core_type<sc_vector_subcore>, window_params = [{transform_indices = #map}, {transform_indices = #map1}, {transform_indices = #map}]} {
    %mul3A = arith.constant 2 : i32
    %mul3A_0 = arith.muli %arg1, %mul3A : i32
    %add3A = arith.addi %mul3A_0, %arg0 : i32
    %mul3A_1 = arith.constant 512 : i32
    %mul3A_2 = arith.muli %add3A, %mul3A_1 : i32
    %add3A_3 = arith.constant 0 : i32
    %add3A_4 = arith.addi %mul3A_2, %add3A_3 : i32
    "tpu.region"() ({
      %run_scoped3A = tpu.sem_alloc : memref<!tpu.dma_semaphore, #tpu.memory_space<semaphore_mem>>
      %dma_start3A_39 = tpu.memref_slice %arg3[%add3A_4] : memref<16384xi32, #tpu.memory_space<hbm>> -> memref<128xi32, #tpu.memory_space<hbm>>
      %dma_start3A_40 = tpu.memref_slice %arg3[%add3A_4] : memref<16384xi32, #tpu.memory_space<hbm>> -> memref<128xi32, #tpu.memory_space<hbm>>
      tpu.enqueue_dma source(%dma_start3A_40 : memref<128xi32, #tpu.memory_space<hbm>>) target(%arg5 : memref<128xi32, #tpu.memory_space<vmem>>) target_semaphore(%run_scoped3A : memref<!tpu.dma_semaphore, #tpu.memory_space<semaphore_mem>>)
      %dma_wait3A_41 = tpu.memref_slice %arg3[%add3A_4] : memref<16384xi32, #tpu.memory_space<hbm>> -> memref<128xi32, #tpu.memory_space<hbm>>
      %dma_wait3A_42 = tpu.memref_slice %arg3[%add3A_4] : memref<16384xi32, #tpu.memory_space<hbm>> -> memref<128xi32, #tpu.memory_space<hbm>>
      tpu.wait_dma2 semaphore(%run_scoped3A : memref<!tpu.dma_semaphore, #tpu.memory_space<semaphore_mem>>) src(%dma_wait3A_42 : memref<128xi32, #tpu.memory_space<hbm>>) dst(%arg5 : memref<128xi32, #tpu.memory_space<vmem>>)
      tpu.yield
    }) : () -> ()
    %dma_start3A = arith.constant 0 : i32
    %dma_start3A_5 = arith.constant 0 : i32
    %dma_start3A_6 = tpu.memref_slice %arg2[%dma_start3A, %dma_start3A_5] : memref<8192x256xf32, #tpu.memory_space<hbm>> -> memref<8192x256xf32, #tpu.memory_space<hbm>>
    tpu.enqueue_indirect_dma source(%dma_start3A_6 : memref<8192x256xf32, #tpu.memory_space<hbm>>) target(%arg6 : memref<128x256xf32, #tpu.memory_space<vmem>>) offsets(%arg5 : memref<128xi32, #tpu.memory_space<vmem>>) semaphore(%arg7 : memref<!tpu.dma_semaphore, #tpu.memory_space<semaphore_mem>>)
    %dma_wait3A = arith.constant 0 : i32
    %dma_wait3A_7 = arith.constant 0 : i32
    %dma_wait3A_8 = tpu.memref_slice %arg2[%dma_wait3A, %dma_wait3A_7] : memref<8192x256xf32, #tpu.memory_space<hbm>> -> memref<8192x256xf32, #tpu.memory_space<hbm>>
    tpu.wait_indirect_dma semaphore(%arg7 : memref<!tpu.dma_semaphore, #tpu.memory_space<semaphore_mem>>) src(%dma_wait3A_8 : memref<8192x256xf32, #tpu.memory_space<hbm>>) dst(%arg6 : memref<128x256xf32, #tpu.memory_space<vmem>>)
    "tpu.region"() ({
      %run_scoped3A = tpu.sem_alloc : memref<!tpu.dma_semaphore, #tpu.memory_space<semaphore_mem>>
      %dma_start3A_39 = arith.constant 0 : i32
      %dma_start3A_40 = tpu.memref_slice %arg4[%add3A_4, %dma_start3A_39] : memref<16384x256xf32, #tpu.memory_space<hbm>> -> memref<128x256xf32, #tpu.memory_space<hbm>>
      %dma_start3A_41 = arith.constant 0 : i32
      %dma_start3A_42 = tpu.memref_slice %arg4[%add3A_4, %dma_start3A_41] : memref<16384x256xf32, #tpu.memory_space<hbm>> -> memref<128x256xf32, #tpu.memory_space<hbm>>
      tpu.enqueue_dma source(%arg6 : memref<128x256xf32, #tpu.memory_space<vmem>>) target(%dma_start3A_42 : memref<128x256xf32, #tpu.memory_space<hbm>>) target_semaphore(%run_scoped3A : memref<!tpu.dma_semaphore, #tpu.memory_space<semaphore_mem>>)
      %dma_wait3A_43 = arith.constant 0 : i32
      %dma_wait3A_44 = tpu.memref_slice %arg4[%add3A_4, %dma_wait3A_43] : memref<16384x256xf32, #tpu.memory_space<hbm>> -> memref<128x256xf32, #tpu.memory_space<hbm>>
      %dma_wait3A_45 = arith.constant 0 : i32
      %dma_wait3A_46 = tpu.memref_slice %arg4[%add3A_4, %dma_wait3A_45] : memref<16384x256xf32, #tpu.memory_space<hbm>> -> memref<128x256xf32, #tpu.memory_space<hbm>>
      tpu.wait_dma2 semaphore(%run_scoped3A : memref<!tpu.dma_semaphore, #tpu.memory_space<semaphore_mem>>) src(%arg6 : memref<128x256xf32, #tpu.memory_space<vmem>>) dst(%dma_wait3A_46 : memref<128x256xf32, #tpu.memory_space<hbm>>)
      tpu.yield
    }) : () -> ()
    %mul3A_9 = arith.constant 512 : i32
    %mul3A_10 = arith.muli %add3A, %mul3A_9 : i32
    %add3A_11 = arith.constant 128 : i32
    %add3A_12 = arith.addi %mul3A_10, %add3A_11 : i32
    "tpu.region"() ({
      %run_scoped3A = tpu.sem_alloc : memref<!tpu.dma_semaphore, #tpu.memory_space<semaphore_mem>>
      %dma_start3A_39 = tpu.memref_slice %arg3[%add3A_12] : memref<16384xi32, #tpu.memory_space<hbm>> -> memref<128xi32, #tpu.memory_space<hbm>>
      %dma_start3A_40 = tpu.memref_slice %arg3[%add3A_12] : memref<16384xi32, #tpu.memory_space<hbm>> -> memref<128xi32, #tpu.memory_space<hbm>>
      tpu.enqueue_dma source(%dma_start3A_40 : memref<128xi32, #tpu.memory_space<hbm>>) target(%arg5 : memref<128xi32, #tpu.memory_space<vmem>>) target_semaphore(%run_scoped3A : memref<!tpu.dma_semaphore, #tpu.memory_space<semaphore_mem>>)
      %dma_wait3A_41 = tpu.memref_slice %arg3[%add3A_12] : memref<16384xi32, #tpu.memory_space<hbm>> -> memref<128xi32, #tpu.memory_space<hbm>>
      %dma_wait3A_42 = tpu.memref_slice %arg3[%add3A_12] : memref<16384xi32, #tpu.memory_space<hbm>> -> memref<128xi32, #tpu.memory_space<hbm>>
      tpu.wait_dma2 semaphore(%run_scoped3A : memref<!tpu.dma_semaphore, #tpu.memory_space<semaphore_mem>>) src(%dma_wait3A_42 : memref<128xi32, #tpu.memory_space<hbm>>) dst(%arg5 : memref<128xi32, #tpu.memory_space<vmem>>)
      tpu.yield
    }) : () -> ()
    %dma_start3A_13 = arith.constant 0 : i32
    %dma_start3A_14 = arith.constant 0 : i32
    %dma_start3A_15 = tpu.memref_slice %arg2[%dma_start3A_13, %dma_start3A_14] : memref<8192x256xf32, #tpu.memory_space<hbm>> -> memref<8192x256xf32, #tpu.memory_space<hbm>>
    tpu.enqueue_indirect_dma source(%dma_start3A_15 : memref<8192x256xf32, #tpu.memory_space<hbm>>) target(%arg6 : memref<128x256xf32, #tpu.memory_space<vmem>>) offsets(%arg5 : memref<128xi32, #tpu.memory_space<vmem>>) semaphore(%arg7 : memref<!tpu.dma_semaphore, #tpu.memory_space<semaphore_mem>>)
    %dma_wait3A_16 = arith.constant 0 : i32
    %dma_wait3A_17 = arith.constant 0 : i32
    %dma_wait3A_18 = tpu.memref_slice %arg2[%dma_wait3A_16, %dma_wait3A_17] : memref<8192x256xf32, #tpu.memory_space<hbm>> -> memref<8192x256xf32, #tpu.memory_space<hbm>>
    tpu.wait_indirect_dma semaphore(%arg7 : memref<!tpu.dma_semaphore, #tpu.memory_space<semaphore_mem>>) src(%dma_wait3A_18 : memref<8192x256xf32, #tpu.memory_space<hbm>>) dst(%arg6 : memref<128x256xf32, #tpu.memory_space<vmem>>)
    "tpu.region"() ({
      %run_scoped3A = tpu.sem_alloc : memref<!tpu.dma_semaphore, #tpu.memory_space<semaphore_mem>>
      %dma_start3A_39 = arith.constant 0 : i32
      %dma_start3A_40 = tpu.memref_slice %arg4[%add3A_12, %dma_start3A_39] : memref<16384x256xf32, #tpu.memory_space<hbm>> -> memref<128x256xf32, #tpu.memory_space<hbm>>
      %dma_start3A_41 = arith.constant 0 : i32
      %dma_start3A_42 = tpu.memref_slice %arg4[%add3A_12, %dma_start3A_41] : memref<16384x256xf32, #tpu.memory_space<hbm>> -> memref<128x256xf32, #tpu.memory_space<hbm>>
      tpu.enqueue_dma source(%arg6 : memref<128x256xf32, #tpu.memory_space<vmem>>) target(%dma_start3A_42 : memref<128x256xf32, #tpu.memory_space<hbm>>) target_semaphore(%run_scoped3A : memref<!tpu.dma_semaphore, #tpu.memory_space<semaphore_mem>>)
      %dma_wait3A_43 = arith.constant 0 : i32
      %dma_wait3A_44 = tpu.memref_slice %arg4[%add3A_12, %dma_wait3A_43] : memref<16384x256xf32, #tpu.memory_space<hbm>> -> memref<128x256xf32, #tpu.memory_space<hbm>>
      %dma_wait3A_45 = arith.constant 0 : i32
      %dma_wait3A_46 = tpu.memref_slice %arg4[%add3A_12, %dma_wait3A_45] : memref<16384x256xf32, #tpu.memory_space<hbm>> -> memref<128x256xf32, #tpu.memory_space<hbm>>
      tpu.wait_dma2 semaphore(%run_scoped3A : memref<!tpu.dma_semaphore, #tpu.memory_space<semaphore_mem>>) src(%arg6 : memref<128x256xf32, #tpu.memory_space<vmem>>) dst(%dma_wait3A_46 : memref<128x256xf32, #tpu.memory_space<hbm>>)
      tpu.yield
    }) : () -> ()
    %mul3A_19 = arith.constant 512 : i32
    %mul3A_20 = arith.muli %add3A, %mul3A_19 : i32
    %add3A_21 = arith.constant 256 : i32
    %add3A_22 = arith.addi %mul3A_20, %add3A_21 : i32
    "tpu.region"() ({
      %run_scoped3A = tpu.sem_alloc : memref<!tpu.dma_semaphore, #tpu.memory_space<semaphore_mem>>
      %dma_start3A_39 = tpu.memref_slice %arg3[%add3A_22] : memref<16384xi32, #tpu.memory_space<hbm>> -> memref<128xi32, #tpu.memory_space<hbm>>
      %dma_start3A_40 = tpu.memref_slice %arg3[%add3A_22] : memref<16384xi32, #tpu.memory_space<hbm>> -> memref<128xi32, #tpu.memory_space<hbm>>
      tpu.enqueue_dma source(%dma_start3A_40 : memref<128xi32, #tpu.memory_space<hbm>>) target(%arg5 : memref<128xi32, #tpu.memory_space<vmem>>) target_semaphore(%run_scoped3A : memref<!tpu.dma_semaphore, #tpu.memory_space<semaphore_mem>>)
      %dma_wait3A_41 = tpu.memref_slice %arg3[%add3A_22] : memref<16384xi32, #tpu.memory_space<hbm>> -> memref<128xi32, #tpu.memory_space<hbm>>
      %dma_wait3A_42 = tpu.memref_slice %arg3[%add3A_22] : memref<16384xi32, #tpu.memory_space<hbm>> -> memref<128xi32, #tpu.memory_space<hbm>>
      tpu.wait_dma2 semaphore(%run_scoped3A : memref<!tpu.dma_semaphore, #tpu.memory_space<semaphore_mem>>) src(%dma_wait3A_42 : memref<128xi32, #tpu.memory_space<hbm>>) dst(%arg5 : memref<128xi32, #tpu.memory_space<vmem>>)
      tpu.yield
    }) : () -> ()
    %dma_start3A_23 = arith.constant 0 : i32
    %dma_start3A_24 = arith.constant 0 : i32
    %dma_start3A_25 = tpu.memref_slice %arg2[%dma_start3A_23, %dma_start3A_24] : memref<8192x256xf32, #tpu.memory_space<hbm>> -> memref<8192x256xf32, #tpu.memory_space<hbm>>
    tpu.enqueue_indirect_dma source(%dma_start3A_25 : memref<8192x256xf32, #tpu.memory_space<hbm>>) target(%arg6 : memref<128x256xf32, #tpu.memory_space<vmem>>) offsets(%arg5 : memref<128xi32, #tpu.memory_space<vmem>>) semaphore(%arg7 : memref<!tpu.dma_semaphore, #tpu.memory_space<semaphore_mem>>)
    %dma_wait3A_26 = arith.constant 0 : i32
    %dma_wait3A_27 = arith.constant 0 : i32
    %dma_wait3A_28 = tpu.memref_slice %arg2[%dma_wait3A_26, %dma_wait3A_27] : memref<8192x256xf32, #tpu.memory_space<hbm>> -> memref<8192x256xf32, #tpu.memory_space<hbm>>
    tpu.wait_indirect_dma semaphore(%arg7 : memref<!tpu.dma_semaphore, #tpu.memory_space<semaphore_mem>>) src(%dma_wait3A_28 : memref<8192x256xf32, #tpu.memory_space<hbm>>) dst(%arg6 : memref<128x256xf32, #tpu.memory_space<vmem>>)
    "tpu.region"() ({
      %run_scoped3A = tpu.sem_alloc : memref<!tpu.dma_semaphore, #tpu.memory_space<semaphore_mem>>
      %dma_start3A_39 = arith.constant 0 : i32
      %dma_start3A_40 = tpu.memref_slice %arg4[%add3A_22, %dma_start3A_39] : memref<16384x256xf32, #tpu.memory_space<hbm>> -> memref<128x256xf32, #tpu.memory_space<hbm>>
      %dma_start3A_41 = arith.constant 0 : i32
      %dma_start3A_42 = tpu.memref_slice %arg4[%add3A_22, %dma_start3A_41] : memref<16384x256xf32, #tpu.memory_space<hbm>> -> memref<128x256xf32, #tpu.memory_space<hbm>>
      tpu.enqueue_dma source(%arg6 : memref<128x256xf32, #tpu.memory_space<vmem>>) target(%dma_start3A_42 : memref<128x256xf32, #tpu.memory_space<hbm>>) target_semaphore(%run_scoped3A : memref<!tpu.dma_semaphore, #tpu.memory_space<semaphore_mem>>)
      %dma_wait3A_43 = arith.constant 0 : i32
      %dma_wait3A_44 = tpu.memref_slice %arg4[%add3A_22, %dma_wait3A_43] : memref<16384x256xf32, #tpu.memory_space<hbm>> -> memref<128x256xf32, #tpu.memory_space<hbm>>
      %dma_wait3A_45 = arith.constant 0 : i32
      %dma_wait3A_46 = tpu.memref_slice %arg4[%add3A_22, %dma_wait3A_45] : memref<16384x256xf32, #tpu.memory_space<hbm>> -> memref<128x256xf32, #tpu.memory_space<hbm>>
      tpu.wait_dma2 semaphore(%run_scoped3A : memref<!tpu.dma_semaphore, #tpu.memory_space<semaphore_mem>>) src(%arg6 : memref<128x256xf32, #tpu.memory_space<vmem>>) dst(%dma_wait3A_46 : memref<128x256xf32, #tpu.memory_space<hbm>>)
      tpu.yield
    }) : () -> ()
    %mul3A_29 = arith.constant 512 : i32
    %mul3A_30 = arith.muli %add3A, %mul3A_29 : i32
    %add3A_31 = arith.constant 384 : i32
    %add3A_32 = arith.addi %mul3A_30, %add3A_31 : i32
    "tpu.region"() ({
      %run_scoped3A = tpu.sem_alloc : memref<!tpu.dma_semaphore, #tpu.memory_space<semaphore_mem>>
      %dma_start3A_39 = tpu.memref_slice %arg3[%add3A_32] : memref<16384xi32, #tpu.memory_space<hbm>> -> memref<128xi32, #tpu.memory_space<hbm>>
      %dma_start3A_40 = tpu.memref_slice %arg3[%add3A_32] : memref<16384xi32, #tpu.memory_space<hbm>> -> memref<128xi32, #tpu.memory_space<hbm>>
      tpu.enqueue_dma source(%dma_start3A_40 : memref<128xi32, #tpu.memory_space<hbm>>) target(%arg5 : memref<128xi32, #tpu.memory_space<vmem>>) target_semaphore(%run_scoped3A : memref<!tpu.dma_semaphore, #tpu.memory_space<semaphore_mem>>)
      %dma_wait3A_41 = tpu.memref_slice %arg3[%add3A_32] : memref<16384xi32, #tpu.memory_space<hbm>> -> memref<128xi32, #tpu.memory_space<hbm>>
      %dma_wait3A_42 = tpu.memref_slice %arg3[%add3A_32] : memref<16384xi32, #tpu.memory_space<hbm>> -> memref<128xi32, #tpu.memory_space<hbm>>
      tpu.wait_dma2 semaphore(%run_scoped3A : memref<!tpu.dma_semaphore, #tpu.memory_space<semaphore_mem>>) src(%dma_wait3A_42 : memref<128xi32, #tpu.memory_space<hbm>>) dst(%arg5 : memref<128xi32, #tpu.memory_space<vmem>>)
      tpu.yield
    }) : () -> ()
    %dma_start3A_33 = arith.constant 0 : i32
    %dma_start3A_34 = arith.constant 0 : i32
    %dma_start3A_35 = tpu.memref_slice %arg2[%dma_start3A_33, %dma_start3A_34] : memref<8192x256xf32, #tpu.memory_space<hbm>> -> memref<8192x256xf32, #tpu.memory_space<hbm>>
    tpu.enqueue_indirect_dma source(%dma_start3A_35 : memref<8192x256xf32, #tpu.memory_space<hbm>>) target(%arg6 : memref<128x256xf32, #tpu.memory_space<vmem>>) offsets(%arg5 : memref<128xi32, #tpu.memory_space<vmem>>) semaphore(%arg7 : memref<!tpu.dma_semaphore, #tpu.memory_space<semaphore_mem>>)
    %dma_wait3A_36 = arith.constant 0 : i32
    %dma_wait3A_37 = arith.constant 0 : i32
    %dma_wait3A_38 = tpu.memref_slice %arg2[%dma_wait3A_36, %dma_wait3A_37] : memref<8192x256xf32, #tpu.memory_space<hbm>> -> memref<8192x256xf32, #tpu.memory_space<hbm>>
    tpu.wait_indirect_dma semaphore(%arg7 : memref<!tpu.dma_semaphore, #tpu.memory_space<semaphore_mem>>) src(%dma_wait3A_38 : memref<8192x256xf32, #tpu.memory_space<hbm>>) dst(%arg6 : memref<128x256xf32, #tpu.memory_space<vmem>>)
    "tpu.region"() ({
      %run_scoped3A = tpu.sem_alloc : memref<!tpu.dma_semaphore, #tpu.memory_space<semaphore_mem>>
      %dma_start3A_39 = arith.constant 0 : i32
      %dma_start3A_40 = tpu.memref_slice %arg4[%add3A_32, %dma_start3A_39] : memref<16384x256xf32, #tpu.memory_space<hbm>> -> memref<128x256xf32, #tpu.memory_space<hbm>>
      %dma_start3A_41 = arith.constant 0 : i32
      %dma_start3A_42 = tpu.memref_slice %arg4[%add3A_32, %dma_start3A_41] : memref<16384x256xf32, #tpu.memory_space<hbm>> -> memref<128x256xf32, #tpu.memory_space<hbm>>
      tpu.enqueue_dma source(%arg6 : memref<128x256xf32, #tpu.memory_space<vmem>>) target(%dma_start3A_42 : memref<128x256xf32, #tpu.memory_space<hbm>>) target_semaphore(%run_scoped3A : memref<!tpu.dma_semaphore, #tpu.memory_space<semaphore_mem>>)
      %dma_wait3A_43 = arith.constant 0 : i32
      %dma_wait3A_44 = tpu.memref_slice %arg4[%add3A_32, %dma_wait3A_43] : memref<16384x256xf32, #tpu.memory_space<hbm>> -> memref<128x256xf32, #tpu.memory_space<hbm>>
      %dma_wait3A_45 = arith.constant 0 : i32
      %dma_wait3A_46 = tpu.memref_slice %arg4[%add3A_32, %dma_wait3A_45] : memref<16384x256xf32, #tpu.memory_space<hbm>> -> memref<128x256xf32, #tpu.memory_space<hbm>>
      tpu.wait_dma2 semaphore(%run_scoped3A : memref<!tpu.dma_semaphore, #tpu.memory_space<semaphore_mem>>) src(%arg6 : memref<128x256xf32, #tpu.memory_space<vmem>>) dst(%dma_wait3A_46 : memref<128x256xf32, #tpu.memory_space<hbm>>)
      tpu.yield
    }) : () -> ()
    return
  }
}

module attributes {stable_mosaic.version = 14 : i64} {
  func.func @_argmin_body(%arg0: i32, %arg1: memref<256x256xf32, #tpu.memory_space<vmem>>, %arg2: memref<256x1xf32, #tpu.memory_space<vmem>>, %arg3: memref<1x8192xf32, #tpu.memory_space<vmem>>, %arg4: memref<8192x256xf32, #tpu.memory_space<vmem>>, %arg5: memref<256x1xf32, #tpu.memory_space<vmem>>, %arg6: memref<1x1xf32, #tpu.memory_space<vmem>>, %arg7: memref<256x8192xf32, #tpu.memory_space<vmem>>, %arg8: memref<1xf32, #tpu.memory_space<smem>>) attributes {dimension_semantics = [#tpu.dimension_semantics<arbitrary>], iteration_bounds = array<i64: 64>, scalar_prefetch = 0 : i64, scratch_operands = 2 : i64, tpu.core_type = #tpu.core_type<tc>, window_params = [{transform_indices = @transform_0, window_bounds = array<i64: 256, 256>}, {transform_indices = @transform_1, window_bounds = array<i64: 256, 1>}, {pipeline_mode = #tpu.pipeline_mode<synchronous>, transform_indices = @transform_2, window_bounds = array<i64: 1, 8192>}, {pipeline_mode = #tpu.pipeline_mode<synchronous>, transform_indices = @transform_3, window_bounds = array<i64: 8192, 256>}, {transform_indices = @transform_4, window_bounds = array<i64: 256, 1>}, {pipeline_mode = #tpu.pipeline_mode<synchronous>, transform_indices = @transform_5, window_bounds = array<i64: 1, 1>}]} {
    %get3A = arith.constant 0 : index
    %get3A_0 = arith.constant 0 : index
    %get3A_1 = vector.load %arg1[%get3A, %get3A_0] : memref<256x256xf32, #tpu.memory_space<vmem>>, vector<256x256xf32>
    %get3A_2 = arith.constant 0 : index
    %get3A_3 = arith.constant 0 : index
    %get3A_4 = vector.load %arg2[%get3A_2, %get3A_3] : memref<256x1xf32, #tpu.memory_space<vmem>>, vector<256x1xf32>
    %iota3A = tpu.iota {dimensions = array<i32: 1>} : vector<256x128xi32>
    %convert_element_type3A = arith.sitofp %iota3A : vector<256x128xi32> to vector<256x128xf32>
    %get3A_5 = arith.constant 0 : index
    %get3A_6 = arith.constant 0 : index
    %get3A_7 = vector.load %arg4[%get3A_5, %get3A_6] : memref<8192x256xf32, #tpu.memory_space<vmem>>, vector<1024x256xf32>
    %get3A_8 = arith.constant 0 : index
    %get3A_9 = arith.constant 0 : index
    %get3A_10 = vector.load %arg3[%get3A_8, %get3A_9] : memref<1x8192xf32, #tpu.memory_space<vmem>>, vector<1x1024xf32>
    %get3A_11 = vector.shape_cast %get3A_10 : vector<1x1024xf32> to vector<1024xf32>
    %dot_general3A = arith.constant dense<0.000000e+00> : vector<256x1024xf32>
    %dot_general3A_12 = tpu.matmul %get3A_1, %get3A_7, %dot_general3A {dimension_numbers = #tpu.dot_dimension_numbers<[1], [1], [0], [0], [0, 0, 1, 0], [], []>, transpose_lhs_hint = false} : vector<256x256xf32>, vector<1024x256xf32>, vector<256x1024xf32> -> vector<256x1024xf32>
    %broadcast_in_dim3A = vector.shape_cast %get3A_11 : vector<1024xf32> to vector<1x1024xf32>
    %add3A = vector.broadcast %get3A_4 : vector<256x1xf32> to vector<256x1024xf32>
    %add3A_13 = vector.broadcast %broadcast_in_dim3A : vector<1x1024xf32> to vector<256x1024xf32>
    %add3A_14 = arith.addf %add3A, %add3A_13 : vector<256x1024xf32>
    %sub3A = arith.subf %add3A_14, %dot_general3A_12 : vector<256x1024xf32>
    %max3A = arith.constant 0.000000e+00 : f32
    %max3A_15 = vector.broadcast %max3A : f32 to vector<256x1024xf32>
    %max3A_16 = arith.maximumf %sub3A, %max3A_15 : vector<256x1024xf32>
    %sqrt3A = math.sqrt %max3A_16 : vector<256x1024xf32>
    %swap3A = arith.constant 0 : index
    %swap3A_17 = arith.constant 0 : index
    %swap3A_18 = vector.load %arg7[%swap3A, %swap3A_17] : memref<256x8192xf32, #tpu.memory_space<vmem>>, vector<256x1024xf32>
    tpu.vector_store %arg7[%swap3A, %swap3A_17], %sqrt3A {strides = array<i32>} : memref<256x8192xf32, #tpu.memory_space<vmem>>, vector<256x1024xf32>,
    %slice3A = vector.extract_strided_slice %sqrt3A {offsets = [0, 0], sizes = [256, 128], strides = [1, 1]} : vector<256x1024xf32> to vector<256x128xf32>
    %slice3A_19 = vector.extract_strided_slice %sqrt3A {offsets = [0, 128], sizes = [256, 128], strides = [1, 1]} : vector<256x1024xf32> to vector<256x128xf32>
    %min3A = arith.minimumf %slice3A, %slice3A_19 : vector<256x128xf32>
    %slice3A_20 = vector.extract_strided_slice %sqrt3A {offsets = [0, 256], sizes = [256, 128], strides = [1, 1]} : vector<256x1024xf32> to vector<256x128xf32>
    %min3A_21 = arith.minimumf %min3A, %slice3A_20 : vector<256x128xf32>
    %slice3A_22 = vector.extract_strided_slice %sqrt3A {offsets = [0, 384], sizes = [256, 128], strides = [1, 1]} : vector<256x1024xf32> to vector<256x128xf32>
    %min3A_23 = arith.minimumf %min3A_21, %slice3A_22 : vector<256x128xf32>
    %slice3A_24 = vector.extract_strided_slice %sqrt3A {offsets = [0, 512], sizes = [256, 128], strides = [1, 1]} : vector<256x1024xf32> to vector<256x128xf32>
    %min3A_25 = arith.minimumf %min3A_23, %slice3A_24 : vector<256x128xf32>
    %slice3A_26 = vector.extract_strided_slice %sqrt3A {offsets = [0, 640], sizes = [256, 128], strides = [1, 1]} : vector<256x1024xf32> to vector<256x128xf32>
    %min3A_27 = arith.minimumf %min3A_25, %slice3A_26 : vector<256x128xf32>
    %slice3A_28 = vector.extract_strided_slice %sqrt3A {offsets = [0, 768], sizes = [256, 128], strides = [1, 1]} : vector<256x1024xf32> to vector<256x128xf32>
    %min3A_29 = arith.minimumf %min3A_27, %slice3A_28 : vector<256x128xf32>
    %slice3A_30 = vector.extract_strided_slice %sqrt3A {offsets = [0, 896], sizes = [256, 128], strides = [1, 1]} : vector<256x1024xf32> to vector<256x128xf32>
    %min3A_31 = arith.minimumf %min3A_29, %slice3A_30 : vector<256x128xf32>
    %get3A_32 = arith.constant 1024 : index
    %get3A_33 = arith.constant 0 : index
    %get3A_34 = vector.load %arg4[%get3A_32, %get3A_33] : memref<8192x256xf32, #tpu.memory_space<vmem>>, vector<1024x256xf32>
    %get3A_35 = arith.constant 0 : index
    %get3A_36 = arith.constant 1024 : index
    %get3A_37 = vector.load %arg3[%get3A_35, %get3A_36] : memref<1x8192xf32, #tpu.memory_space<vmem>>, vector<1x1024xf32>
    %get3A_38 = vector.shape_cast %get3A_37 : vector<1x1024xf32> to vector<1024xf32>
    %dot_general3A_39 = arith.constant dense<0.000000e+00> : vector<256x1024xf32>
    %dot_general3A_40 = tpu.matmul %get3A_1, %get3A_34, %dot_general3A_39 {dimension_numbers = #tpu.dot_dimension_numbers<[1], [1], [0], [0], [0, 0, 1, 0], [], []>, transpose_lhs_hint = false} : vector<256x256xf32>, vector<1024x256xf32>, vector<256x1024xf32> -> vector<256x1024xf32>
    %broadcast_in_dim3A_41 = vector.shape_cast %get3A_38 : vector<1024xf32> to vector<1x1024xf32>
    %add3A_42 = vector.broadcast %get3A_4 : vector<256x1xf32> to vector<256x1024xf32>
    %add3A_43 = vector.broadcast %broadcast_in_dim3A_41 : vector<1x1024xf32> to vector<256x1024xf32>
    %add3A_44 = arith.addf %add3A_42, %add3A_43 : vector<256x1024xf32>
    %sub3A_45 = arith.subf %add3A_44, %dot_general3A_40 : vector<256x1024xf32>
    %max3A_46 = arith.constant 0.000000e+00 : f32
    %max3A_47 = vector.broadcast %max3A_46 : f32 to vector<256x1024xf32>
    %max3A_48 = arith.maximumf %sub3A_45, %max3A_47 : vector<256x1024xf32>
    %sqrt3A_49 = math.sqrt %max3A_48 : vector<256x1024xf32>
    %swap3A_50 = arith.constant 0 : index
    %swap3A_51 = arith.constant 1024 : index
    %swap3A_52 = vector.load %arg7[%swap3A_50, %swap3A_51] : memref<256x8192xf32, #tpu.memory_space<vmem>>, vector<256x1024xf32>
    tpu.vector_store %arg7[%swap3A_50, %swap3A_51], %sqrt3A_49 {strides = array<i32>} : memref<256x8192xf32, #tpu.memory_space<vmem>>, vector<256x1024xf32>,
    %slice3A_53 = vector.extract_strided_slice %sqrt3A_49 {offsets = [0, 0], sizes = [256, 128], strides = [1, 1]} : vector<256x1024xf32> to vector<256x128xf32>
    %slice3A_54 = vector.extract_strided_slice %sqrt3A_49 {offsets = [0, 128], sizes = [256, 128], strides = [1, 1]} : vector<256x1024xf32> to vector<256x128xf32>
    %min3A_55 = arith.minimumf %slice3A_53, %slice3A_54 : vector<256x128xf32>
    %slice3A_56 = vector.extract_strided_slice %sqrt3A_49 {offsets = [0, 256], sizes = [256, 128], strides = [1, 1]} : vector<256x1024xf32> to vector<256x128xf32>
    %min3A_57 = arith.minimumf %min3A_55, %slice3A_56 : vector<256x128xf32>
    %slice3A_58 = vector.extract_strided_slice %sqrt3A_49 {offsets = [0, 384], sizes = [256, 128], strides = [1, 1]} : vector<256x1024xf32> to vector<256x128xf32>
    %min3A_59 = arith.minimumf %min3A_57, %slice3A_58 : vector<256x128xf32>
    %slice3A_60 = vector.extract_strided_slice %sqrt3A_49 {offsets = [0, 512], sizes = [256, 128], strides = [1, 1]} : vector<256x1024xf32> to vector<256x128xf32>
    %min3A_61 = arith.minimumf %min3A_59, %slice3A_60 : vector<256x128xf32>
    %slice3A_62 = vector.extract_strided_slice %sqrt3A_49 {offsets = [0, 640], sizes = [256, 128], strides = [1, 1]} : vector<256x1024xf32> to vector<256x128xf32>
    %min3A_63 = arith.minimumf %min3A_61, %slice3A_62 : vector<256x128xf32>
    %slice3A_64 = vector.extract_strided_slice %sqrt3A_49 {offsets = [0, 768], sizes = [256, 128], strides = [1, 1]} : vector<256x1024xf32> to vector<256x128xf32>
    %min3A_65 = arith.minimumf %min3A_63, %slice3A_64 : vector<256x128xf32>
    %slice3A_66 = vector.extract_strided_slice %sqrt3A_49 {offsets = [0, 896], sizes = [256, 128], strides = [1, 1]} : vector<256x1024xf32> to vector<256x128xf32>
    %min3A_67 = arith.minimumf %min3A_65, %slice3A_66 : vector<256x128xf32>
    %min3A_68 = arith.minimumf %min3A_31, %min3A_67 : vector<256x128xf32>
    %get3A_69 = arith.constant 2048 : index
    %get3A_70 = arith.constant 0 : index
    %get3A_71 = vector.load %arg4[%get3A_69, %get3A_70] : memref<8192x256xf32, #tpu.memory_space<vmem>>, vector<1024x256xf32>
    %get3A_72 = arith.constant 0 : index
    %get3A_73 = arith.constant 2048 : index
    %get3A_74 = vector.load %arg3[%get3A_72, %get3A_73] : memref<1x8192xf32, #tpu.memory_space<vmem>>, vector<1x1024xf32>
    %get3A_75 = vector.shape_cast %get3A_74 : vector<1x1024xf32> to vector<1024xf32>
    %dot_general3A_76 = arith.constant dense<0.000000e+00> : vector<256x1024xf32>
    %dot_general3A_77 = tpu.matmul %get3A_1, %get3A_71, %dot_general3A_76 {dimension_numbers = #tpu.dot_dimension_numbers<[1], [1], [0], [0], [0, 0, 1, 0], [], []>, transpose_lhs_hint = false} : vector<256x256xf32>, vector<1024x256xf32>, vector<256x1024xf32> -> vector<256x1024xf32>
    %broadcast_in_dim3A_78 = vector.shape_cast %get3A_75 : vector<1024xf32> to vector<1x1024xf32>
    %add3A_79 = vector.broadcast %get3A_4 : vector<256x1xf32> to vector<256x1024xf32>
    %add3A_80 = vector.broadcast %broadcast_in_dim3A_78 : vector<1x1024xf32> to vector<256x1024xf32>
    %add3A_81 = arith.addf %add3A_79, %add3A_80 : vector<256x1024xf32>
    %sub3A_82 = arith.subf %add3A_81, %dot_general3A_77 : vector<256x1024xf32>
    %max3A_83 = arith.constant 0.000000e+00 : f32
    %max3A_84 = vector.broadcast %max3A_83 : f32 to vector<256x1024xf32>
    %max3A_85 = arith.maximumf %sub3A_82, %max3A_84 : vector<256x1024xf32>
    %sqrt3A_86 = math.sqrt %max3A_85 : vector<256x1024xf32>
    %swap3A_87 = arith.constant 0 : index
    %swap3A_88 = arith.constant 2048 : index
    %swap3A_89 = vector.load %arg7[%swap3A_87, %swap3A_88] : memref<256x8192xf32, #tpu.memory_space<vmem>>, vector<256x1024xf32>
    tpu.vector_store %arg7[%swap3A_87, %swap3A_88], %sqrt3A_86 {strides = array<i32>} : memref<256x8192xf32, #tpu.memory_space<vmem>>, vector<256x1024xf32>,
    %slice3A_90 = vector.extract_strided_slice %sqrt3A_86 {offsets = [0, 0], sizes = [256, 128], strides = [1, 1]} : vector<256x1024xf32> to vector<256x128xf32>
    %slice3A_91 = vector.extract_strided_slice %sqrt3A_86 {offsets = [0, 128], sizes = [256, 128], strides = [1, 1]} : vector<256x1024xf32> to vector<256x128xf32>
    %min3A_92 = arith.minimumf %slice3A_90, %slice3A_91 : vector<256x128xf32>
    %slice3A_93 = vector.extract_strided_slice %sqrt3A_86 {offsets = [0, 256], sizes = [256, 128], strides = [1, 1]} : vector<256x1024xf32> to vector<256x128xf32>
    %min3A_94 = arith.minimumf %min3A_92, %slice3A_93 : vector<256x128xf32>
    %slice3A_95 = vector.extract_strided_slice %sqrt3A_86 {offsets = [0, 384], sizes = [256, 128], strides = [1, 1]} : vector<256x1024xf32> to vector<256x128xf32>
    %min3A_96 = arith.minimumf %min3A_94, %slice3A_95 : vector<256x128xf32>
    %slice3A_97 = vector.extract_strided_slice %sqrt3A_86 {offsets = [0, 512], sizes = [256, 128], strides = [1, 1]} : vector<256x1024xf32> to vector<256x128xf32>
    %min3A_98 = arith.minimumf %min3A_96, %slice3A_97 : vector<256x128xf32>
    %slice3A_99 = vector.extract_strided_slice %sqrt3A_86 {offsets = [0, 640], sizes = [256, 128], strides = [1, 1]} : vector<256x1024xf32> to vector<256x128xf32>
    %min3A_100 = arith.minimumf %min3A_98, %slice3A_99 : vector<256x128xf32>
    %slice3A_101 = vector.extract_strided_slice %sqrt3A_86 {offsets = [0, 768], sizes = [256, 128], strides = [1, 1]} : vector<256x1024xf32> to vector<256x128xf32>
    %min3A_102 = arith.minimumf %min3A_100, %slice3A_101 : vector<256x128xf32>
    %slice3A_103 = vector.extract_strided_slice %sqrt3A_86 {offsets = [0, 896], sizes = [256, 128], strides = [1, 1]} : vector<256x1024xf32> to vector<256x128xf32>
    %min3A_104 = arith.minimumf %min3A_102, %slice3A_103 : vector<256x128xf32>
    %min3A_105 = arith.minimumf %min3A_68, %min3A_104 : vector<256x128xf32>
    %get3A_106 = arith.constant 3072 : index
    %get3A_107 = arith.constant 0 : index
    %get3A_108 = vector.load %arg4[%get3A_106, %get3A_107] : memref<8192x256xf32, #tpu.memory_space<vmem>>, vector<1024x256xf32>
    %get3A_109 = arith.constant 0 : index
    %get3A_110 = arith.constant 3072 : index
    %get3A_111 = vector.load %arg3[%get3A_109, %get3A_110] : memref<1x8192xf32, #tpu.memory_space<vmem>>, vector<1x1024xf32>
    %get3A_112 = vector.shape_cast %get3A_111 : vector<1x1024xf32> to vector<1024xf32>
    %dot_general3A_113 = arith.constant dense<0.000000e+00> : vector<256x1024xf32>
    %dot_general3A_114 = tpu.matmul %get3A_1, %get3A_108, %dot_general3A_113 {dimension_numbers = #tpu.dot_dimension_numbers<[1], [1], [0], [0], [0, 0, 1, 0], [], []>, transpose_lhs_hint = false} : vector<256x256xf32>, vector<1024x256xf32>, vector<256x1024xf32> -> vector<256x1024xf32>
    %broadcast_in_dim3A_115 = vector.shape_cast %get3A_112 : vector<1024xf32> to vector<1x1024xf32>
    %add3A_116 = vector.broadcast %get3A_4 : vector<256x1xf32> to vector<256x1024xf32>
    %add3A_117 = vector.broadcast %broadcast_in_dim3A_115 : vector<1x1024xf32> to vector<256x1024xf32>
    %add3A_118 = arith.addf %add3A_116, %add3A_117 : vector<256x1024xf32>
    %sub3A_119 = arith.subf %add3A_118, %dot_general3A_114 : vector<256x1024xf32>
    %max3A_120 = arith.constant 0.000000e+00 : f32
    %max3A_121 = vector.broadcast %max3A_120 : f32 to vector<256x1024xf32>
    %max3A_122 = arith.maximumf %sub3A_119, %max3A_121 : vector<256x1024xf32>
    %sqrt3A_123 = math.sqrt %max3A_122 : vector<256x1024xf32>
    %swap3A_124 = arith.constant 0 : index
    %swap3A_125 = arith.constant 3072 : index
    %swap3A_126 = vector.load %arg7[%swap3A_124, %swap3A_125] : memref<256x8192xf32, #tpu.memory_space<vmem>>, vector<256x1024xf32>
    tpu.vector_store %arg7[%swap3A_124, %swap3A_125], %sqrt3A_123 {strides = array<i32>} : memref<256x8192xf32, #tpu.memory_space<vmem>>, vector<256x1024xf32>,
    %slice3A_127 = vector.extract_strided_slice %sqrt3A_123 {offsets = [0, 0], sizes = [256, 128], strides = [1, 1]} : vector<256x1024xf32> to vector<256x128xf32>
    %slice3A_128 = vector.extract_strided_slice %sqrt3A_123 {offsets = [0, 128], sizes = [256, 128], strides = [1, 1]} : vector<256x1024xf32> to vector<256x128xf32>
    %min3A_129 = arith.minimumf %slice3A_127, %slice3A_128 : vector<256x128xf32>
    %slice3A_130 = vector.extract_strided_slice %sqrt3A_123 {offsets = [0, 256], sizes = [256, 128], strides = [1, 1]} : vector<256x1024xf32> to vector<256x128xf32>
    %min3A_131 = arith.minimumf %min3A_129, %slice3A_130 : vector<256x128xf32>
    %slice3A_132 = vector.extract_strided_slice %sqrt3A_123 {offsets = [0, 384], sizes = [256, 128], strides = [1, 1]} : vector<256x1024xf32> to vector<256x128xf32>
    %min3A_133 = arith.minimumf %min3A_131, %slice3A_132 : vector<256x128xf32>
    %slice3A_134 = vector.extract_strided_slice %sqrt3A_123 {offsets = [0, 512], sizes = [256, 128], strides = [1, 1]} : vector<256x1024xf32> to vector<256x128xf32>
    %min3A_135 = arith.minimumf %min3A_133, %slice3A_134 : vector<256x128xf32>
    %slice3A_136 = vector.extract_strided_slice %sqrt3A_123 {offsets = [0, 640], sizes = [256, 128], strides = [1, 1]} : vector<256x1024xf32> to vector<256x128xf32>
    %min3A_137 = arith.minimumf %min3A_135, %slice3A_136 : vector<256x128xf32>
    %slice3A_138 = vector.extract_strided_slice %sqrt3A_123 {offsets = [0, 768], sizes = [256, 128], strides = [1, 1]} : vector<256x1024xf32> to vector<256x128xf32>
    %min3A_139 = arith.minimumf %min3A_137, %slice3A_138 : vector<256x128xf32>
    %slice3A_140 = vector.extract_strided_slice %sqrt3A_123 {offsets = [0, 896], sizes = [256, 128], strides = [1, 1]} : vector<256x1024xf32> to vector<256x128xf32>
    %min3A_141 = arith.minimumf %min3A_139, %slice3A_140 : vector<256x128xf32>
    %min3A_142 = arith.minimumf %min3A_105, %min3A_141 : vector<256x128xf32>
    %get3A_143 = arith.constant 4096 : index
    %get3A_144 = arith.constant 0 : index
    %get3A_145 = vector.load %arg4[%get3A_143, %get3A_144] : memref<8192x256xf32, #tpu.memory_space<vmem>>, vector<1024x256xf32>
    %get3A_146 = arith.constant 0 : index
    %get3A_147 = arith.constant 4096 : index
    %get3A_148 = vector.load %arg3[%get3A_146, %get3A_147] : memref<1x8192xf32, #tpu.memory_space<vmem>>, vector<1x1024xf32>
    %get3A_149 = vector.shape_cast %get3A_148 : vector<1x1024xf32> to vector<1024xf32>
    %dot_general3A_150 = arith.constant dense<0.000000e+00> : vector<256x1024xf32>
    %dot_general3A_151 = tpu.matmul %get3A_1, %get3A_145, %dot_general3A_150 {dimension_numbers = #tpu.dot_dimension_numbers<[1], [1], [0], [0], [0, 0, 1, 0], [], []>, transpose_lhs_hint = false} : vector<256x256xf32>, vector<1024x256xf32>, vector<256x1024xf32> -> vector<256x1024xf32>
    %broadcast_in_dim3A_152 = vector.shape_cast %get3A_149 : vector<1024xf32> to vector<1x1024xf32>
    %add3A_153 = vector.broadcast %get3A_4 : vector<256x1xf32> to vector<256x1024xf32>
    %add3A_154 = vector.broadcast %broadcast_in_dim3A_152 : vector<1x1024xf32> to vector<256x1024xf32>
    %add3A_155 = arith.addf %add3A_153, %add3A_154 : vector<256x1024xf32>
    %sub3A_156 = arith.subf %add3A_155, %dot_general3A_151 : vector<256x1024xf32>
    %max3A_157 = arith.constant 0.000000e+00 : f32
    %max3A_158 = vector.broadcast %max3A_157 : f32 to vector<256x1024xf32>
    %max3A_159 = arith.maximumf %sub3A_156, %max3A_158 : vector<256x1024xf32>
    %sqrt3A_160 = math.sqrt %max3A_159 : vector<256x1024xf32>
    %swap3A_161 = arith.constant 0 : index
    %swap3A_162 = arith.constant 4096 : index
    %swap3A_163 = vector.load %arg7[%swap3A_161, %swap3A_162] : memref<256x8192xf32, #tpu.memory_space<vmem>>, vector<256x1024xf32>
    tpu.vector_store %arg7[%swap3A_161, %swap3A_162], %sqrt3A_160 {strides = array<i32>} : memref<256x8192xf32, #tpu.memory_space<vmem>>, vector<256x1024xf32>,
    %slice3A_164 = vector.extract_strided_slice %sqrt3A_160 {offsets = [0, 0], sizes = [256, 128], strides = [1, 1]} : vector<256x1024xf32> to vector<256x128xf32>
    %slice3A_165 = vector.extract_strided_slice %sqrt3A_160 {offsets = [0, 128], sizes = [256, 128], strides = [1, 1]} : vector<256x1024xf32> to vector<256x128xf32>
    %min3A_166 = arith.minimumf %slice3A_164, %slice3A_165 : vector<256x128xf32>
    %slice3A_167 = vector.extract_strided_slice %sqrt3A_160 {offsets = [0, 256], sizes = [256, 128], strides = [1, 1]} : vector<256x1024xf32> to vector<256x128xf32>
    %min3A_168 = arith.minimumf %min3A_166, %slice3A_167 : vector<256x128xf32>
    %slice3A_169 = vector.extract_strided_slice %sqrt3A_160 {offsets = [0, 384], sizes = [256, 128], strides = [1, 1]} : vector<256x1024xf32> to vector<256x128xf32>
    %min3A_170 = arith.minimumf %min3A_168, %slice3A_169 : vector<256x128xf32>
    %slice3A_171 = vector.extract_strided_slice %sqrt3A_160 {offsets = [0, 512], sizes = [256, 128], strides = [1, 1]} : vector<256x1024xf32> to vector<256x128xf32>
    %min3A_172 = arith.minimumf %min3A_170, %slice3A_171 : vector<256x128xf32>
    %slice3A_173 = vector.extract_strided_slice %sqrt3A_160 {offsets = [0, 640], sizes = [256, 128], strides = [1, 1]} : vector<256x1024xf32> to vector<256x128xf32>
    %min3A_174 = arith.minimumf %min3A_172, %slice3A_173 : vector<256x128xf32>
    %slice3A_175 = vector.extract_strided_slice %sqrt3A_160 {offsets = [0, 768], sizes = [256, 128], strides = [1, 1]} : vector<256x1024xf32> to vector<256x128xf32>
    %min3A_176 = arith.minimumf %min3A_174, %slice3A_175 : vector<256x128xf32>
    %slice3A_177 = vector.extract_strided_slice %sqrt3A_160 {offsets = [0, 896], sizes = [256, 128], strides = [1, 1]} : vector<256x1024xf32> to vector<256x128xf32>
    %min3A_178 = arith.minimumf %min3A_176, %slice3A_177 : vector<256x128xf32>
    %min3A_179 = arith.minimumf %min3A_142, %min3A_178 : vector<256x128xf32>
    %get3A_180 = arith.constant 5120 : index
    %get3A_181 = arith.constant 0 : index
    %get3A_182 = vector.load %arg4[%get3A_180, %get3A_181] : memref<8192x256xf32, #tpu.memory_space<vmem>>, vector<1024x256xf32>
    %get3A_183 = arith.constant 0 : index
    %get3A_184 = arith.constant 5120 : index
    %get3A_185 = vector.load %arg3[%get3A_183, %get3A_184] : memref<1x8192xf32, #tpu.memory_space<vmem>>, vector<1x1024xf32>
    %get3A_186 = vector.shape_cast %get3A_185 : vector<1x1024xf32> to vector<1024xf32>
    %dot_general3A_187 = arith.constant dense<0.000000e+00> : vector<256x1024xf32>
    %dot_general3A_188 = tpu.matmul %get3A_1, %get3A_182, %dot_general3A_187 {dimension_numbers = #tpu.dot_dimension_numbers<[1], [1], [0], [0], [0, 0, 1, 0], [], []>, transpose_lhs_hint = false} : vector<256x256xf32>, vector<1024x256xf32>, vector<256x1024xf32> -> vector<256x1024xf32>
    %broadcast_in_dim3A_189 = vector.shape_cast %get3A_186 : vector<1024xf32> to vector<1x1024xf32>
    %add3A_190 = vector.broadcast %get3A_4 : vector<256x1xf32> to vector<256x1024xf32>
    %add3A_191 = vector.broadcast %broadcast_in_dim3A_189 : vector<1x1024xf32> to vector<256x1024xf32>
    %add3A_192 = arith.addf %add3A_190, %add3A_191 : vector<256x1024xf32>
    %sub3A_193 = arith.subf %add3A_192, %dot_general3A_188 : vector<256x1024xf32>
    %max3A_194 = arith.constant 0.000000e+00 : f32
    %max3A_195 = vector.broadcast %max3A_194 : f32 to vector<256x1024xf32>
    %max3A_196 = arith.maximumf %sub3A_193, %max3A_195 : vector<256x1024xf32>
    %sqrt3A_197 = math.sqrt %max3A_196 : vector<256x1024xf32>
    %swap3A_198 = arith.constant 0 : index
    %swap3A_199 = arith.constant 5120 : index
    %swap3A_200 = vector.load %arg7[%swap3A_198, %swap3A_199] : memref<256x8192xf32, #tpu.memory_space<vmem>>, vector<256x1024xf32>
    tpu.vector_store %arg7[%swap3A_198, %swap3A_199], %sqrt3A_197 {strides = array<i32>} : memref<256x8192xf32, #tpu.memory_space<vmem>>, vector<256x1024xf32>,
    %slice3A_201 = vector.extract_strided_slice %sqrt3A_197 {offsets = [0, 0], sizes = [256, 128], strides = [1, 1]} : vector<256x1024xf32> to vector<256x128xf32>
    %slice3A_202 = vector.extract_strided_slice %sqrt3A_197 {offsets = [0, 128], sizes = [256, 128], strides = [1, 1]} : vector<256x1024xf32> to vector<256x128xf32>
    %min3A_203 = arith.minimumf %slice3A_201, %slice3A_202 : vector<256x128xf32>
    %slice3A_204 = vector.extract_strided_slice %sqrt3A_197 {offsets = [0, 256], sizes = [256, 128], strides = [1, 1]} : vector<256x1024xf32> to vector<256x128xf32>
    %min3A_205 = arith.minimumf %min3A_203, %slice3A_204 : vector<256x128xf32>
    %slice3A_206 = vector.extract_strided_slice %sqrt3A_197 {offsets = [0, 384], sizes = [256, 128], strides = [1, 1]} : vector<256x1024xf32> to vector<256x128xf32>
    %min3A_207 = arith.minimumf %min3A_205, %slice3A_206 : vector<256x128xf32>
    %slice3A_208 = vector.extract_strided_slice %sqrt3A_197 {offsets = [0, 512], sizes = [256, 128], strides = [1, 1]} : vector<256x1024xf32> to vector<256x128xf32>
    %min3A_209 = arith.minimumf %min3A_207, %slice3A_208 : vector<256x128xf32>
    %slice3A_210 = vector.extract_strided_slice %sqrt3A_197 {offsets = [0, 640], sizes = [256, 128], strides = [1, 1]} : vector<256x1024xf32> to vector<256x128xf32>
    %min3A_211 = arith.minimumf %min3A_209, %slice3A_210 : vector<256x128xf32>
    %slice3A_212 = vector.extract_strided_slice %sqrt3A_197 {offsets = [0, 768], sizes = [256, 128], strides = [1, 1]} : vector<256x1024xf32> to vector<256x128xf32>
    %min3A_213 = arith.minimumf %min3A_211, %slice3A_212 : vector<256x128xf32>
    %slice3A_214 = vector.extract_strided_slice %sqrt3A_197 {offsets = [0, 896], sizes = [256, 128], strides = [1, 1]} : vector<256x1024xf32> to vector<256x128xf32>
    %min3A_215 = arith.minimumf %min3A_213, %slice3A_214 : vector<256x128xf32>
    %min3A_216 = arith.minimumf %min3A_179, %min3A_215 : vector<256x128xf32>
    %get3A_217 = arith.constant 6144 : index
    %get3A_218 = arith.constant 0 : index
    %get3A_219 = vector.load %arg4[%get3A_217, %get3A_218] : memref<8192x256xf32, #tpu.memory_space<vmem>>, vector<1024x256xf32>
    %get3A_220 = arith.constant 0 : index
    %get3A_221 = arith.constant 6144 : index
    %get3A_222 = vector.load %arg3[%get3A_220, %get3A_221] : memref<1x8192xf32, #tpu.memory_space<vmem>>, vector<1x1024xf32>
    %get3A_223 = vector.shape_cast %get3A_222 : vector<1x1024xf32> to vector<1024xf32>
    %dot_general3A_224 = arith.constant dense<0.000000e+00> : vector<256x1024xf32>
    %dot_general3A_225 = tpu.matmul %get3A_1, %get3A_219, %dot_general3A_224 {dimension_numbers = #tpu.dot_dimension_numbers<[1], [1], [0], [0], [0, 0, 1, 0], [], []>, transpose_lhs_hint = false} : vector<256x256xf32>, vector<1024x256xf32>, vector<256x1024xf32> -> vector<256x1024xf32>
    %broadcast_in_dim3A_226 = vector.shape_cast %get3A_223 : vector<1024xf32> to vector<1x1024xf32>
    %add3A_227 = vector.broadcast %get3A_4 : vector<256x1xf32> to vector<256x1024xf32>
    %add3A_228 = vector.broadcast %broadcast_in_dim3A_226 : vector<1x1024xf32> to vector<256x1024xf32>
    %add3A_229 = arith.addf %add3A_227, %add3A_228 : vector<256x1024xf32>
    %sub3A_230 = arith.subf %add3A_229, %dot_general3A_225 : vector<256x1024xf32>
    %max3A_231 = arith.constant 0.000000e+00 : f32
    %max3A_232 = vector.broadcast %max3A_231 : f32 to vector<256x1024xf32>
    %max3A_233 = arith.maximumf %sub3A_230, %max3A_232 : vector<256x1024xf32>
    %sqrt3A_234 = math.sqrt %max3A_233 : vector<256x1024xf32>
    %swap3A_235 = arith.constant 0 : index
    %swap3A_236 = arith.constant 6144 : index
    %swap3A_237 = vector.load %arg7[%swap3A_235, %swap3A_236] : memref<256x8192xf32, #tpu.memory_space<vmem>>, vector<256x1024xf32>
    tpu.vector_store %arg7[%swap3A_235, %swap3A_236], %sqrt3A_234 {strides = array<i32>} : memref<256x8192xf32, #tpu.memory_space<vmem>>, vector<256x1024xf32>,
    %slice3A_238 = vector.extract_strided_slice %sqrt3A_234 {offsets = [0, 0], sizes = [256, 128], strides = [1, 1]} : vector<256x1024xf32> to vector<256x128xf32>
    %slice3A_239 = vector.extract_strided_slice %sqrt3A_234 {offsets = [0, 128], sizes = [256, 128], strides = [1, 1]} : vector<256x1024xf32> to vector<256x128xf32>
    %min3A_240 = arith.minimumf %slice3A_238, %slice3A_239 : vector<256x128xf32>
    %slice3A_241 = vector.extract_strided_slice %sqrt3A_234 {offsets = [0, 256], sizes = [256, 128], strides = [1, 1]} : vector<256x1024xf32> to vector<256x128xf32>
    %min3A_242 = arith.minimumf %min3A_240, %slice3A_241 : vector<256x128xf32>
    %slice3A_243 = vector.extract_strided_slice %sqrt3A_234 {offsets = [0, 384], sizes = [256, 128], strides = [1, 1]} : vector<256x1024xf32> to vector<256x128xf32>
    %min3A_244 = arith.minimumf %min3A_242, %slice3A_243 : vector<256x128xf32>
    %slice3A_245 = vector.extract_strided_slice %sqrt3A_234 {offsets = [0, 512], sizes = [256, 128], strides = [1, 1]} : vector<256x1024xf32> to vector<256x128xf32>
    %min3A_246 = arith.minimumf %min3A_244, %slice3A_245 : vector<256x128xf32>
    %slice3A_247 = vector.extract_strided_slice %sqrt3A_234 {offsets = [0, 640], sizes = [256, 128], strides = [1, 1]} : vector<256x1024xf32> to vector<256x128xf32>
    %min3A_248 = arith.minimumf %min3A_246, %slice3A_247 : vector<256x128xf32>
    %slice3A_249 = vector.extract_strided_slice %sqrt3A_234 {offsets = [0, 768], sizes = [256, 128], strides = [1, 1]} : vector<256x1024xf32> to vector<256x128xf32>
    %min3A_250 = arith.minimumf %min3A_248, %slice3A_249 : vector<256x128xf32>
    %slice3A_251 = vector.extract_strided_slice %sqrt3A_234 {offsets = [0, 896], sizes = [256, 128], strides = [1, 1]} : vector<256x1024xf32> to vector<256x128xf32>
    %min3A_252 = arith.minimumf %min3A_250, %slice3A_251 : vector<256x128xf32>
    %min3A_253 = arith.minimumf %min3A_216, %min3A_252 : vector<256x128xf32>
    %get3A_254 = arith.constant 7168 : index
    %get3A_255 = arith.constant 0 : index
    %get3A_256 = vector.load %arg4[%get3A_254, %get3A_255] : memref<8192x256xf32, #tpu.memory_space<vmem>>, vector<1024x256xf32>
    %get3A_257 = arith.constant 0 : index
    %get3A_258 = arith.constant 7168 : index
    %get3A_259 = vector.load %arg3[%get3A_257, %get3A_258] : memref<1x8192xf32, #tpu.memory_space<vmem>>, vector<1x1024xf32>
    %get3A_260 = vector.shape_cast %get3A_259 : vector<1x1024xf32> to vector<1024xf32>
    %dot_general3A_261 = arith.constant dense<0.000000e+00> : vector<256x1024xf32>
    %dot_general3A_262 = tpu.matmul %get3A_1, %get3A_256, %dot_general3A_261 {dimension_numbers = #tpu.dot_dimension_numbers<[1], [1], [0], [0], [0, 0, 1, 0], [], []>, transpose_lhs_hint = false} : vector<256x256xf32>, vector<1024x256xf32>, vector<256x1024xf32> -> vector<256x1024xf32>
    %broadcast_in_dim3A_263 = vector.shape_cast %get3A_260 : vector<1024xf32> to vector<1x1024xf32>
    %add3A_264 = vector.broadcast %get3A_4 : vector<256x1xf32> to vector<256x1024xf32>
    %add3A_265 = vector.broadcast %broadcast_in_dim3A_263 : vector<1x1024xf32> to vector<256x1024xf32>
    %add3A_266 = arith.addf %add3A_264, %add3A_265 : vector<256x1024xf32>
    %sub3A_267 = arith.subf %add3A_266, %dot_general3A_262 : vector<256x1024xf32>
    %max3A_268 = arith.constant 0.000000e+00 : f32
    %max3A_269 = vector.broadcast %max3A_268 : f32 to vector<256x1024xf32>
    %max3A_270 = arith.maximumf %sub3A_267, %max3A_269 : vector<256x1024xf32>
    %sqrt3A_271 = math.sqrt %max3A_270 : vector<256x1024xf32>
    %swap3A_272 = arith.constant 0 : index
    %swap3A_273 = arith.constant 7168 : index
    %swap3A_274 = vector.load %arg7[%swap3A_272, %swap3A_273] : memref<256x8192xf32, #tpu.memory_space<vmem>>, vector<256x1024xf32>
    tpu.vector_store %arg7[%swap3A_272, %swap3A_273], %sqrt3A_271 {strides = array<i32>} : memref<256x8192xf32, #tpu.memory_space<vmem>>, vector<256x1024xf32>,
    %slice3A_275 = vector.extract_strided_slice %sqrt3A_271 {offsets = [0, 0], sizes = [256, 128], strides = [1, 1]} : vector<256x1024xf32> to vector<256x128xf32>
    %slice3A_276 = vector.extract_strided_slice %sqrt3A_271 {offsets = [0, 128], sizes = [256, 128], strides = [1, 1]} : vector<256x1024xf32> to vector<256x128xf32>
    %min3A_277 = arith.minimumf %slice3A_275, %slice3A_276 : vector<256x128xf32>
    %slice3A_278 = vector.extract_strided_slice %sqrt3A_271 {offsets = [0, 256], sizes = [256, 128], strides = [1, 1]} : vector<256x1024xf32> to vector<256x128xf32>
    %min3A_279 = arith.minimumf %min3A_277, %slice3A_278 : vector<256x128xf32>
    %slice3A_280 = vector.extract_strided_slice %sqrt3A_271 {offsets = [0, 384], sizes = [256, 128], strides = [1, 1]} : vector<256x1024xf32> to vector<256x128xf32>
    %min3A_281 = arith.minimumf %min3A_279, %slice3A_280 : vector<256x128xf32>
    %slice3A_282 = vector.extract_strided_slice %sqrt3A_271 {offsets = [0, 512], sizes = [256, 128], strides = [1, 1]} : vector<256x1024xf32> to vector<256x128xf32>
    %min3A_283 = arith.minimumf %min3A_281, %slice3A_282 : vector<256x128xf32>
    %slice3A_284 = vector.extract_strided_slice %sqrt3A_271 {offsets = [0, 640], sizes = [256, 128], strides = [1, 1]} : vector<256x1024xf32> to vector<256x128xf32>
    %min3A_285 = arith.minimumf %min3A_283, %slice3A_284 : vector<256x128xf32>
    %slice3A_286 = vector.extract_strided_slice %sqrt3A_271 {offsets = [0, 768], sizes = [256, 128], strides = [1, 1]} : vector<256x1024xf32> to vector<256x128xf32>
    %min3A_287 = arith.minimumf %min3A_285, %slice3A_286 : vector<256x128xf32>
    %slice3A_288 = vector.extract_strided_slice %sqrt3A_271 {offsets = [0, 896], sizes = [256, 128], strides = [1, 1]} : vector<256x1024xf32> to vector<256x128xf32>
    %min3A_289 = arith.minimumf %min3A_287, %slice3A_288 : vector<256x128xf32>
    %min3A_290 = arith.minimumf %min3A_253, %min3A_289 : vector<256x128xf32>
    %reduce_min3A = arith.constant dense<0x7F800000> : vector<256xf32>
    %reduce_min3A_291 = vector.multi_reduction <minimumf>, %min3A_290, %reduce_min3A [1] : vector<256x128xf32> to vector<256xf32>
    %broadcast_in_dim3A_292 = vector.shape_cast %reduce_min3A_291 : vector<256xf32> to vector<256x1xf32>
    %get3A_293 = arith.constant 0 : index
    %get3A_294 = arith.constant 0 : index
    %get3A_295 = vector.load %arg7[%get3A_293, %get3A_294] : memref<256x8192xf32, #tpu.memory_space<vmem>>, vector<256x1024xf32>
    %slice3A_296 = vector.extract_strided_slice %get3A_295 {offsets = [0, 0], sizes = [256, 128], strides = [1, 1]} : vector<256x1024xf32> to vector<256x128xf32>
    %le3A = vector.broadcast %broadcast_in_dim3A_292 : vector<256x1xf32> to vector<256x128xf32>
    %le3A_297 = arith.cmpf ole, %slice3A_296, %le3A : vector<256x128xf32>
    %jit3A = arith.constant 0.000000e+00 : f32
    %jit3A_298 = arith.constant 1.000000e+30 : f32
    %broadcast_in_dim3A_299 = vector.broadcast %jit3A : f32 to vector<256x128xf32>
    %broadcast_in_dim3A_300 = vector.broadcast %jit3A_298 : f32 to vector<256x128xf32>
    %select_n3A = arith.select %le3A_297, %broadcast_in_dim3A_299, %broadcast_in_dim3A_300 : vector<256x128xi1>, vector<256x128xf32>
    %slice3A_301 = vector.extract_strided_slice %get3A_295 {offsets = [0, 128], sizes = [256, 128], strides = [1, 1]} : vector<256x1024xf32> to vector<256x128xf32>
    %le3A_302 = vector.broadcast %broadcast_in_dim3A_292 : vector<256x1xf32> to vector<256x128xf32>
    %le3A_303 = arith.cmpf ole, %slice3A_301, %le3A_302 : vector<256x128xf32>
    %jit3A_304 = arith.constant 1.280000e+02 : f32
    %jit3A_305 = arith.constant 1.000000e+30 : f32
    %broadcast_in_dim3A_306 = vector.broadcast %jit3A_304 : f32 to vector<256x128xf32>
    %broadcast_in_dim3A_307 = vector.broadcast %jit3A_305 : f32 to vector<256x128xf32>
    %select_n3A_308 = arith.select %le3A_303, %broadcast_in_dim3A_306, %broadcast_in_dim3A_307 : vector<256x128xi1>, vector<256x128xf32>
    %min3A_309 = arith.minimumf %select_n3A, %select_n3A_308 : vector<256x128xf32>
    %slice3A_310 = vector.extract_strided_slice %get3A_295 {offsets = [0, 256], sizes = [256, 128], strides = [1, 1]} : vector<256x1024xf32> to vector<256x128xf32>
    %le3A_311 = vector.broadcast %broadcast_in_dim3A_292 : vector<256x1xf32> to vector<256x128xf32>
    %le3A_312 = arith.cmpf ole, %slice3A_310, %le3A_311 : vector<256x128xf32>
    %jit3A_313 = arith.constant 2.560000e+02 : f32
    %jit3A_314 = arith.constant 1.000000e+30 : f32
    %broadcast_in_dim3A_315 = vector.broadcast %jit3A_313 : f32 to vector<256x128xf32>
    %broadcast_in_dim3A_316 = vector.broadcast %jit3A_314 : f32 to vector<256x128xf32>
    %select_n3A_317 = arith.select %le3A_312, %broadcast_in_dim3A_315, %broadcast_in_dim3A_316 : vector<256x128xi1>, vector<256x128xf32>
    %min3A_318 = arith.minimumf %min3A_309, %select_n3A_317 : vector<256x128xf32>
    %slice3A_319 = vector.extract_strided_slice %get3A_295 {offsets = [0, 384], sizes = [256, 128], strides = [1, 1]} : vector<256x1024xf32> to vector<256x128xf32>
    %le3A_320 = vector.broadcast %broadcast_in_dim3A_292 : vector<256x1xf32> to vector<256x128xf32>
    %le3A_321 = arith.cmpf ole, %slice3A_319, %le3A_320 : vector<256x128xf32>
    %jit3A_322 = arith.constant 3.840000e+02 : f32
    %jit3A_323 = arith.constant 1.000000e+30 : f32
    %broadcast_in_dim3A_324 = vector.broadcast %jit3A_322 : f32 to vector<256x128xf32>
    %broadcast_in_dim3A_325 = vector.broadcast %jit3A_323 : f32 to vector<256x128xf32>
    %select_n3A_326 = arith.select %le3A_321, %broadcast_in_dim3A_324, %broadcast_in_dim3A_325 : vector<256x128xi1>, vector<256x128xf32>
    %min3A_327 = arith.minimumf %min3A_318, %select_n3A_326 : vector<256x128xf32>
    %slice3A_328 = vector.extract_strided_slice %get3A_295 {offsets = [0, 512], sizes = [256, 128], strides = [1, 1]} : vector<256x1024xf32> to vector<256x128xf32>
    %le3A_329 = vector.broadcast %broadcast_in_dim3A_292 : vector<256x1xf32> to vector<256x128xf32>
    %le3A_330 = arith.cmpf ole, %slice3A_328, %le3A_329 : vector<256x128xf32>
    %jit3A_331 = arith.constant 5.120000e+02 : f32
    %jit3A_332 = arith.constant 1.000000e+30 : f32
    %broadcast_in_dim3A_333 = vector.broadcast %jit3A_331 : f32 to vector<256x128xf32>
    %broadcast_in_dim3A_334 = vector.broadcast %jit3A_332 : f32 to vector<256x128xf32>
    %select_n3A_335 = arith.select %le3A_330, %broadcast_in_dim3A_333, %broadcast_in_dim3A_334 : vector<256x128xi1>, vector<256x128xf32>
    %min3A_336 = arith.minimumf %min3A_327, %select_n3A_335 : vector<256x128xf32>
    %slice3A_337 = vector.extract_strided_slice %get3A_295 {offsets = [0, 640], sizes = [256, 128], strides = [1, 1]} : vector<256x1024xf32> to vector<256x128xf32>
    %le3A_338 = vector.broadcast %broadcast_in_dim3A_292 : vector<256x1xf32> to vector<256x128xf32>
    %le3A_339 = arith.cmpf ole, %slice3A_337, %le3A_338 : vector<256x128xf32>
    %jit3A_340 = arith.constant 6.400000e+02 : f32
    %jit3A_341 = arith.constant 1.000000e+30 : f32
    %broadcast_in_dim3A_342 = vector.broadcast %jit3A_340 : f32 to vector<256x128xf32>
    %broadcast_in_dim3A_343 = vector.broadcast %jit3A_341 : f32 to vector<256x128xf32>
    %select_n3A_344 = arith.select %le3A_339, %broadcast_in_dim3A_342, %broadcast_in_dim3A_343 : vector<256x128xi1>, vector<256x128xf32>
    %min3A_345 = arith.minimumf %min3A_336, %select_n3A_344 : vector<256x128xf32>
    %slice3A_346 = vector.extract_strided_slice %get3A_295 {offsets = [0, 768], sizes = [256, 128], strides = [1, 1]} : vector<256x1024xf32> to vector<256x128xf32>
    %le3A_347 = vector.broadcast %broadcast_in_dim3A_292 : vector<256x1xf32> to vector<256x128xf32>
    %le3A_348 = arith.cmpf ole, %slice3A_346, %le3A_347 : vector<256x128xf32>
    %jit3A_349 = arith.constant 7.680000e+02 : f32
    %jit3A_350 = arith.constant 1.000000e+30 : f32
    %broadcast_in_dim3A_351 = vector.broadcast %jit3A_349 : f32 to vector<256x128xf32>
    %broadcast_in_dim3A_352 = vector.broadcast %jit3A_350 : f32 to vector<256x128xf32>
    %select_n3A_353 = arith.select %le3A_348, %broadcast_in_dim3A_351, %broadcast_in_dim3A_352 : vector<256x128xi1>, vector<256x128xf32>
    %min3A_354 = arith.minimumf %min3A_345, %select_n3A_353 : vector<256x128xf32>
    %slice3A_355 = vector.extract_strided_slice %get3A_295 {offsets = [0, 896], sizes = [256, 128], strides = [1, 1]} : vector<256x1024xf32> to vector<256x128xf32>
    %le3A_356 = vector.broadcast %broadcast_in_dim3A_292 : vector<256x1xf32> to vector<256x128xf32>
    %le3A_357 = arith.cmpf ole, %slice3A_355, %le3A_356 : vector<256x128xf32>
    %jit3A_358 = arith.constant 8.960000e+02 : f32
    %jit3A_359 = arith.constant 1.000000e+30 : f32
    %broadcast_in_dim3A_360 = vector.broadcast %jit3A_358 : f32 to vector<256x128xf32>
    %broadcast_in_dim3A_361 = vector.broadcast %jit3A_359 : f32 to vector<256x128xf32>
    %select_n3A_362 = arith.select %le3A_357, %broadcast_in_dim3A_360, %broadcast_in_dim3A_361 : vector<256x128xi1>, vector<256x128xf32>
    %min3A_363 = arith.minimumf %min3A_354, %select_n3A_362 : vector<256x128xf32>
    %get3A_364 = arith.constant 0 : index
    %get3A_365 = arith.constant 1024 : index
    %get3A_366 = vector.load %arg7[%get3A_364, %get3A_365] : memref<256x8192xf32, #tpu.memory_space<vmem>>, vector<256x1024xf32>
    %slice3A_367 = vector.extract_strided_slice %get3A_366 {offsets = [0, 0], sizes = [256, 128], strides = [1, 1]} : vector<256x1024xf32> to vector<256x128xf32>
    %le3A_368 = vector.broadcast %broadcast_in_dim3A_292 : vector<256x1xf32> to vector<256x128xf32>
    %le3A_369 = arith.cmpf ole, %slice3A_367, %le3A_368 : vector<256x128xf32>
    %jit3A_370 = arith.constant 1.024000e+03 : f32
    %jit3A_371 = arith.constant 1.000000e+30 : f32
    %broadcast_in_dim3A_372 = vector.broadcast %jit3A_370 : f32 to vector<256x128xf32>
    %broadcast_in_dim3A_373 = vector.broadcast %jit3A_371 : f32 to vector<256x128xf32>
    %select_n3A_374 = arith.select %le3A_369, %broadcast_in_dim3A_372, %broadcast_in_dim3A_373 : vector<256x128xi1>, vector<256x128xf32>
    %slice3A_375 = vector.extract_strided_slice %get3A_366 {offsets = [0, 128], sizes = [256, 128], strides = [1, 1]} : vector<256x1024xf32> to vector<256x128xf32>
    %le3A_376 = vector.broadcast %broadcast_in_dim3A_292 : vector<256x1xf32> to vector<256x128xf32>
    %le3A_377 = arith.cmpf ole, %slice3A_375, %le3A_376 : vector<256x128xf32>
    %jit3A_378 = arith.constant 1.152000e+03 : f32
    %jit3A_379 = arith.constant 1.000000e+30 : f32
    %broadcast_in_dim3A_380 = vector.broadcast %jit3A_378 : f32 to vector<256x128xf32>
    %broadcast_in_dim3A_381 = vector.broadcast %jit3A_379 : f32 to vector<256x128xf32>
    %select_n3A_382 = arith.select %le3A_377, %broadcast_in_dim3A_380, %broadcast_in_dim3A_381 : vector<256x128xi1>, vector<256x128xf32>
    %min3A_383 = arith.minimumf %select_n3A_374, %select_n3A_382 : vector<256x128xf32>
    %slice3A_384 = vector.extract_strided_slice %get3A_366 {offsets = [0, 256], sizes = [256, 128], strides = [1, 1]} : vector<256x1024xf32> to vector<256x128xf32>
    %le3A_385 = vector.broadcast %broadcast_in_dim3A_292 : vector<256x1xf32> to vector<256x128xf32>
    %le3A_386 = arith.cmpf ole, %slice3A_384, %le3A_385 : vector<256x128xf32>
    %jit3A_387 = arith.constant 1.280000e+03 : f32
    %jit3A_388 = arith.constant 1.000000e+30 : f32
    %broadcast_in_dim3A_389 = vector.broadcast %jit3A_387 : f32 to vector<256x128xf32>
    %broadcast_in_dim3A_390 = vector.broadcast %jit3A_388 : f32 to vector<256x128xf32>
    %select_n3A_391 = arith.select %le3A_386, %broadcast_in_dim3A_389, %broadcast_in_dim3A_390 : vector<256x128xi1>, vector<256x128xf32>
    %min3A_392 = arith.minimumf %min3A_383, %select_n3A_391 : vector<256x128xf32>
    %slice3A_393 = vector.extract_strided_slice %get3A_366 {offsets = [0, 384], sizes = [256, 128], strides = [1, 1]} : vector<256x1024xf32> to vector<256x128xf32>
    %le3A_394 = vector.broadcast %broadcast_in_dim3A_292 : vector<256x1xf32> to vector<256x128xf32>
    %le3A_395 = arith.cmpf ole, %slice3A_393, %le3A_394 : vector<256x128xf32>
    %jit3A_396 = arith.constant 1.408000e+03 : f32
    %jit3A_397 = arith.constant 1.000000e+30 : f32
    %broadcast_in_dim3A_398 = vector.broadcast %jit3A_396 : f32 to vector<256x128xf32>
    %broadcast_in_dim3A_399 = vector.broadcast %jit3A_397 : f32 to vector<256x128xf32>
    %select_n3A_400 = arith.select %le3A_395, %broadcast_in_dim3A_398, %broadcast_in_dim3A_399 : vector<256x128xi1>, vector<256x128xf32>
    %min3A_401 = arith.minimumf %min3A_392, %select_n3A_400 : vector<256x128xf32>
    %slice3A_402 = vector.extract_strided_slice %get3A_366 {offsets = [0, 512], sizes = [256, 128], strides = [1, 1]} : vector<256x1024xf32> to vector<256x128xf32>
    %le3A_403 = vector.broadcast %broadcast_in_dim3A_292 : vector<256x1xf32> to vector<256x128xf32>
    %le3A_404 = arith.cmpf ole, %slice3A_402, %le3A_403 : vector<256x128xf32>
    %jit3A_405 = arith.constant 1.536000e+03 : f32
    %jit3A_406 = arith.constant 1.000000e+30 : f32
    %broadcast_in_dim3A_407 = vector.broadcast %jit3A_405 : f32 to vector<256x128xf32>
    %broadcast_in_dim3A_408 = vector.broadcast %jit3A_406 : f32 to vector<256x128xf32>
    %select_n3A_409 = arith.select %le3A_404, %broadcast_in_dim3A_407, %broadcast_in_dim3A_408 : vector<256x128xi1>, vector<256x128xf32>
    %min3A_410 = arith.minimumf %min3A_401, %select_n3A_409 : vector<256x128xf32>
    %slice3A_411 = vector.extract_strided_slice %get3A_366 {offsets = [0, 640], sizes = [256, 128], strides = [1, 1]} : vector<256x1024xf32> to vector<256x128xf32>
    %le3A_412 = vector.broadcast %broadcast_in_dim3A_292 : vector<256x1xf32> to vector<256x128xf32>
    %le3A_413 = arith.cmpf ole, %slice3A_411, %le3A_412 : vector<256x128xf32>
    %jit3A_414 = arith.constant 1.664000e+03 : f32
    %jit3A_415 = arith.constant 1.000000e+30 : f32
    %broadcast_in_dim3A_416 = vector.broadcast %jit3A_414 : f32 to vector<256x128xf32>
    %broadcast_in_dim3A_417 = vector.broadcast %jit3A_415 : f32 to vector<256x128xf32>
    %select_n3A_418 = arith.select %le3A_413, %broadcast_in_dim3A_416, %broadcast_in_dim3A_417 : vector<256x128xi1>, vector<256x128xf32>
    %min3A_419 = arith.minimumf %min3A_410, %select_n3A_418 : vector<256x128xf32>
    %slice3A_420 = vector.extract_strided_slice %get3A_366 {offsets = [0, 768], sizes = [256, 128], strides = [1, 1]} : vector<256x1024xf32> to vector<256x128xf32>
    %le3A_421 = vector.broadcast %broadcast_in_dim3A_292 : vector<256x1xf32> to vector<256x128xf32>
    %le3A_422 = arith.cmpf ole, %slice3A_420, %le3A_421 : vector<256x128xf32>
    %jit3A_423 = arith.constant 1.792000e+03 : f32
    %jit3A_424 = arith.constant 1.000000e+30 : f32
    %broadcast_in_dim3A_425 = vector.broadcast %jit3A_423 : f32 to vector<256x128xf32>
    %broadcast_in_dim3A_426 = vector.broadcast %jit3A_424 : f32 to vector<256x128xf32>
    %select_n3A_427 = arith.select %le3A_422, %broadcast_in_dim3A_425, %broadcast_in_dim3A_426 : vector<256x128xi1>, vector<256x128xf32>
    %min3A_428 = arith.minimumf %min3A_419, %select_n3A_427 : vector<256x128xf32>
    %slice3A_429 = vector.extract_strided_slice %get3A_366 {offsets = [0, 896], sizes = [256, 128], strides = [1, 1]} : vector<256x1024xf32> to vector<256x128xf32>
    %le3A_430 = vector.broadcast %broadcast_in_dim3A_292 : vector<256x1xf32> to vector<256x128xf32>
    %le3A_431 = arith.cmpf ole, %slice3A_429, %le3A_430 : vector<256x128xf32>
    %jit3A_432 = arith.constant 1.920000e+03 : f32
    %jit3A_433 = arith.constant 1.000000e+30 : f32
    %broadcast_in_dim3A_434 = vector.broadcast %jit3A_432 : f32 to vector<256x128xf32>
    %broadcast_in_dim3A_435 = vector.broadcast %jit3A_433 : f32 to vector<256x128xf32>
    %select_n3A_436 = arith.select %le3A_431, %broadcast_in_dim3A_434, %broadcast_in_dim3A_435 : vector<256x128xi1>, vector<256x128xf32>
    %min3A_437 = arith.minimumf %min3A_428, %select_n3A_436 : vector<256x128xf32>
    %min3A_438 = arith.minimumf %min3A_363, %min3A_437 : vector<256x128xf32>
    %get3A_439 = arith.constant 0 : index
    %get3A_440 = arith.constant 2048 : index
    %get3A_441 = vector.load %arg7[%get3A_439, %get3A_440] : memref<256x8192xf32, #tpu.memory_space<vmem>>, vector<256x1024xf32>
    %slice3A_442 = vector.extract_strided_slice %get3A_441 {offsets = [0, 0], sizes = [256, 128], strides = [1, 1]} : vector<256x1024xf32> to vector<256x128xf32>
    %le3A_443 = vector.broadcast %broadcast_in_dim3A_292 : vector<256x1xf32> to vector<256x128xf32>
    %le3A_444 = arith.cmpf ole, %slice3A_442, %le3A_443 : vector<256x128xf32>
    %jit3A_445 = arith.constant 2.048000e+03 : f32
    %jit3A_446 = arith.constant 1.000000e+30 : f32
    %broadcast_in_dim3A_447 = vector.broadcast %jit3A_445 : f32 to vector<256x128xf32>
    %broadcast_in_dim3A_448 = vector.broadcast %jit3A_446 : f32 to vector<256x128xf32>
    %select_n3A_449 = arith.select %le3A_444, %broadcast_in_dim3A_447, %broadcast_in_dim3A_448 : vector<256x128xi1>, vector<256x128xf32>
    %slice3A_450 = vector.extract_strided_slice %get3A_441 {offsets = [0, 128], sizes = [256, 128], strides = [1, 1]} : vector<256x1024xf32> to vector<256x128xf32>
    %le3A_451 = vector.broadcast %broadcast_in_dim3A_292 : vector<256x1xf32> to vector<256x128xf32>
    %le3A_452 = arith.cmpf ole, %slice3A_450, %le3A_451 : vector<256x128xf32>
    %jit3A_453 = arith.constant 2.176000e+03 : f32
    %jit3A_454 = arith.constant 1.000000e+30 : f32
    %broadcast_in_dim3A_455 = vector.broadcast %jit3A_453 : f32 to vector<256x128xf32>
    %broadcast_in_dim3A_456 = vector.broadcast %jit3A_454 : f32 to vector<256x128xf32>
    %select_n3A_457 = arith.select %le3A_452, %broadcast_in_dim3A_455, %broadcast_in_dim3A_456 : vector<256x128xi1>, vector<256x128xf32>
    %min3A_458 = arith.minimumf %select_n3A_449, %select_n3A_457 : vector<256x128xf32>
    %slice3A_459 = vector.extract_strided_slice %get3A_441 {offsets = [0, 256], sizes = [256, 128], strides = [1, 1]} : vector<256x1024xf32> to vector<256x128xf32>
    %le3A_460 = vector.broadcast %broadcast_in_dim3A_292 : vector<256x1xf32> to vector<256x128xf32>
    %le3A_461 = arith.cmpf ole, %slice3A_459, %le3A_460 : vector<256x128xf32>
    %jit3A_462 = arith.constant 2.304000e+03 : f32
    %jit3A_463 = arith.constant 1.000000e+30 : f32
    %broadcast_in_dim3A_464 = vector.broadcast %jit3A_462 : f32 to vector<256x128xf32>
    %broadcast_in_dim3A_465 = vector.broadcast %jit3A_463 : f32 to vector<256x128xf32>
    %select_n3A_466 = arith.select %le3A_461, %broadcast_in_dim3A_464, %broadcast_in_dim3A_465 : vector<256x128xi1>, vector<256x128xf32>
    %min3A_467 = arith.minimumf %min3A_458, %select_n3A_466 : vector<256x128xf32>
    %slice3A_468 = vector.extract_strided_slice %get3A_441 {offsets = [0, 384], sizes = [256, 128], strides = [1, 1]} : vector<256x1024xf32> to vector<256x128xf32>
    %le3A_469 = vector.broadcast %broadcast_in_dim3A_292 : vector<256x1xf32> to vector<256x128xf32>
    %le3A_470 = arith.cmpf ole, %slice3A_468, %le3A_469 : vector<256x128xf32>
    %jit3A_471 = arith.constant 2.432000e+03 : f32
    %jit3A_472 = arith.constant 1.000000e+30 : f32
    %broadcast_in_dim3A_473 = vector.broadcast %jit3A_471 : f32 to vector<256x128xf32>
    %broadcast_in_dim3A_474 = vector.broadcast %jit3A_472 : f32 to vector<256x128xf32>
    %select_n3A_475 = arith.select %le3A_470, %broadcast_in_dim3A_473, %broadcast_in_dim3A_474 : vector<256x128xi1>, vector<256x128xf32>
    %min3A_476 = arith.minimumf %min3A_467, %select_n3A_475 : vector<256x128xf32>
    %slice3A_477 = vector.extract_strided_slice %get3A_441 {offsets = [0, 512], sizes = [256, 128], strides = [1, 1]} : vector<256x1024xf32> to vector<256x128xf32>
    %le3A_478 = vector.broadcast %broadcast_in_dim3A_292 : vector<256x1xf32> to vector<256x128xf32>
    %le3A_479 = arith.cmpf ole, %slice3A_477, %le3A_478 : vector<256x128xf32>
    %jit3A_480 = arith.constant 2.560000e+03 : f32
    %jit3A_481 = arith.constant 1.000000e+30 : f32
    %broadcast_in_dim3A_482 = vector.broadcast %jit3A_480 : f32 to vector<256x128xf32>
    %broadcast_in_dim3A_483 = vector.broadcast %jit3A_481 : f32 to vector<256x128xf32>
    %select_n3A_484 = arith.select %le3A_479, %broadcast_in_dim3A_482, %broadcast_in_dim3A_483 : vector<256x128xi1>, vector<256x128xf32>
    %min3A_485 = arith.minimumf %min3A_476, %select_n3A_484 : vector<256x128xf32>
    %slice3A_486 = vector.extract_strided_slice %get3A_441 {offsets = [0, 640], sizes = [256, 128], strides = [1, 1]} : vector<256x1024xf32> to vector<256x128xf32>
    %le3A_487 = vector.broadcast %broadcast_in_dim3A_292 : vector<256x1xf32> to vector<256x128xf32>
    %le3A_488 = arith.cmpf ole, %slice3A_486, %le3A_487 : vector<256x128xf32>
    %jit3A_489 = arith.constant 2.688000e+03 : f32
    %jit3A_490 = arith.constant 1.000000e+30 : f32
    %broadcast_in_dim3A_491 = vector.broadcast %jit3A_489 : f32 to vector<256x128xf32>
    %broadcast_in_dim3A_492 = vector.broadcast %jit3A_490 : f32 to vector<256x128xf32>
    %select_n3A_493 = arith.select %le3A_488, %broadcast_in_dim3A_491, %broadcast_in_dim3A_492 : vector<256x128xi1>, vector<256x128xf32>
    %min3A_494 = arith.minimumf %min3A_485, %select_n3A_493 : vector<256x128xf32>
    %slice3A_495 = vector.extract_strided_slice %get3A_441 {offsets = [0, 768], sizes = [256, 128], strides = [1, 1]} : vector<256x1024xf32> to vector<256x128xf32>
    %le3A_496 = vector.broadcast %broadcast_in_dim3A_292 : vector<256x1xf32> to vector<256x128xf32>
    %le3A_497 = arith.cmpf ole, %slice3A_495, %le3A_496 : vector<256x128xf32>
    %jit3A_498 = arith.constant 2.816000e+03 : f32
    %jit3A_499 = arith.constant 1.000000e+30 : f32
    %broadcast_in_dim3A_500 = vector.broadcast %jit3A_498 : f32 to vector<256x128xf32>
    %broadcast_in_dim3A_501 = vector.broadcast %jit3A_499 : f32 to vector<256x128xf32>
    %select_n3A_502 = arith.select %le3A_497, %broadcast_in_dim3A_500, %broadcast_in_dim3A_501 : vector<256x128xi1>, vector<256x128xf32>
    %min3A_503 = arith.minimumf %min3A_494, %select_n3A_502 : vector<256x128xf32>
    %slice3A_504 = vector.extract_strided_slice %get3A_441 {offsets = [0, 896], sizes = [256, 128], strides = [1, 1]} : vector<256x1024xf32> to vector<256x128xf32>
    %le3A_505 = vector.broadcast %broadcast_in_dim3A_292 : vector<256x1xf32> to vector<256x128xf32>
    %le3A_506 = arith.cmpf ole, %slice3A_504, %le3A_505 : vector<256x128xf32>
    %jit3A_507 = arith.constant 2.944000e+03 : f32
    %jit3A_508 = arith.constant 1.000000e+30 : f32
    %broadcast_in_dim3A_509 = vector.broadcast %jit3A_507 : f32 to vector<256x128xf32>
    %broadcast_in_dim3A_510 = vector.broadcast %jit3A_508 : f32 to vector<256x128xf32>
    %select_n3A_511 = arith.select %le3A_506, %broadcast_in_dim3A_509, %broadcast_in_dim3A_510 : vector<256x128xi1>, vector<256x128xf32>
    %min3A_512 = arith.minimumf %min3A_503, %select_n3A_511 : vector<256x128xf32>
    %min3A_513 = arith.minimumf %min3A_438, %min3A_512 : vector<256x128xf32>
    %get3A_514 = arith.constant 0 : index
    %get3A_515 = arith.constant 3072 : index
    %get3A_516 = vector.load %arg7[%get3A_514, %get3A_515] : memref<256x8192xf32, #tpu.memory_space<vmem>>, vector<256x1024xf32>
    %slice3A_517 = vector.extract_strided_slice %get3A_516 {offsets = [0, 0], sizes = [256, 128], strides = [1, 1]} : vector<256x1024xf32> to vector<256x128xf32>
    %le3A_518 = vector.broadcast %broadcast_in_dim3A_292 : vector<256x1xf32> to vector<256x128xf32>
    %le3A_519 = arith.cmpf ole, %slice3A_517, %le3A_518 : vector<256x128xf32>
    %jit3A_520 = arith.constant 3.072000e+03 : f32
    %jit3A_521 = arith.constant 1.000000e+30 : f32
    %broadcast_in_dim3A_522 = vector.broadcast %jit3A_520 : f32 to vector<256x128xf32>
    %broadcast_in_dim3A_523 = vector.broadcast %jit3A_521 : f32 to vector<256x128xf32>
    %select_n3A_524 = arith.select %le3A_519, %broadcast_in_dim3A_522, %broadcast_in_dim3A_523 : vector<256x128xi1>, vector<256x128xf32>
    %slice3A_525 = vector.extract_strided_slice %get3A_516 {offsets = [0, 128], sizes = [256, 128], strides = [1, 1]} : vector<256x1024xf32> to vector<256x128xf32>
    %le3A_526 = vector.broadcast %broadcast_in_dim3A_292 : vector<256x1xf32> to vector<256x128xf32>
    %le3A_527 = arith.cmpf ole, %slice3A_525, %le3A_526 : vector<256x128xf32>
    %jit3A_528 = arith.constant 3.200000e+03 : f32
    %jit3A_529 = arith.constant 1.000000e+30 : f32
    %broadcast_in_dim3A_530 = vector.broadcast %jit3A_528 : f32 to vector<256x128xf32>
    %broadcast_in_dim3A_531 = vector.broadcast %jit3A_529 : f32 to vector<256x128xf32>
    %select_n3A_532 = arith.select %le3A_527, %broadcast_in_dim3A_530, %broadcast_in_dim3A_531 : vector<256x128xi1>, vector<256x128xf32>
    %min3A_533 = arith.minimumf %select_n3A_524, %select_n3A_532 : vector<256x128xf32>
    %slice3A_534 = vector.extract_strided_slice %get3A_516 {offsets = [0, 256], sizes = [256, 128], strides = [1, 1]} : vector<256x1024xf32> to vector<256x128xf32>
    %le3A_535 = vector.broadcast %broadcast_in_dim3A_292 : vector<256x1xf32> to vector<256x128xf32>
    %le3A_536 = arith.cmpf ole, %slice3A_534, %le3A_535 : vector<256x128xf32>
    %jit3A_537 = arith.constant 3.328000e+03 : f32
    %jit3A_538 = arith.constant 1.000000e+30 : f32
    %broadcast_in_dim3A_539 = vector.broadcast %jit3A_537 : f32 to vector<256x128xf32>
    %broadcast_in_dim3A_540 = vector.broadcast %jit3A_538 : f32 to vector<256x128xf32>
    %select_n3A_541 = arith.select %le3A_536, %broadcast_in_dim3A_539, %broadcast_in_dim3A_540 : vector<256x128xi1>, vector<256x128xf32>
    %min3A_542 = arith.minimumf %min3A_533, %select_n3A_541 : vector<256x128xf32>
    %slice3A_543 = vector.extract_strided_slice %get3A_516 {offsets = [0, 384], sizes = [256, 128], strides = [1, 1]} : vector<256x1024xf32> to vector<256x128xf32>
    %le3A_544 = vector.broadcast %broadcast_in_dim3A_292 : vector<256x1xf32> to vector<256x128xf32>
    %le3A_545 = arith.cmpf ole, %slice3A_543, %le3A_544 : vector<256x128xf32>
    %jit3A_546 = arith.constant 3.456000e+03 : f32
    %jit3A_547 = arith.constant 1.000000e+30 : f32
    %broadcast_in_dim3A_548 = vector.broadcast %jit3A_546 : f32 to vector<256x128xf32>
    %broadcast_in_dim3A_549 = vector.broadcast %jit3A_547 : f32 to vector<256x128xf32>
    %select_n3A_550 = arith.select %le3A_545, %broadcast_in_dim3A_548, %broadcast_in_dim3A_549 : vector<256x128xi1>, vector<256x128xf32>
    %min3A_551 = arith.minimumf %min3A_542, %select_n3A_550 : vector<256x128xf32>
    %slice3A_552 = vector.extract_strided_slice %get3A_516 {offsets = [0, 512], sizes = [256, 128], strides = [1, 1]} : vector<256x1024xf32> to vector<256x128xf32>
    %le3A_553 = vector.broadcast %broadcast_in_dim3A_292 : vector<256x1xf32> to vector<256x128xf32>
    %le3A_554 = arith.cmpf ole, %slice3A_552, %le3A_553 : vector<256x128xf32>
    %jit3A_555 = arith.constant 3.584000e+03 : f32
    %jit3A_556 = arith.constant 1.000000e+30 : f32
    %broadcast_in_dim3A_557 = vector.broadcast %jit3A_555 : f32 to vector<256x128xf32>
    %broadcast_in_dim3A_558 = vector.broadcast %jit3A_556 : f32 to vector<256x128xf32>
    %select_n3A_559 = arith.select %le3A_554, %broadcast_in_dim3A_557, %broadcast_in_dim3A_558 : vector<256x128xi1>, vector<256x128xf32>
    %min3A_560 = arith.minimumf %min3A_551, %select_n3A_559 : vector<256x128xf32>
    %slice3A_561 = vector.extract_strided_slice %get3A_516 {offsets = [0, 640], sizes = [256, 128], strides = [1, 1]} : vector<256x1024xf32> to vector<256x128xf32>
    %le3A_562 = vector.broadcast %broadcast_in_dim3A_292 : vector<256x1xf32> to vector<256x128xf32>
    %le3A_563 = arith.cmpf ole, %slice3A_561, %le3A_562 : vector<256x128xf32>
    %jit3A_564 = arith.constant 3.712000e+03 : f32
    %jit3A_565 = arith.constant 1.000000e+30 : f32
    %broadcast_in_dim3A_566 = vector.broadcast %jit3A_564 : f32 to vector<256x128xf32>
    %broadcast_in_dim3A_567 = vector.broadcast %jit3A_565 : f32 to vector<256x128xf32>
    %select_n3A_568 = arith.select %le3A_563, %broadcast_in_dim3A_566, %broadcast_in_dim3A_567 : vector<256x128xi1>, vector<256x128xf32>
    %min3A_569 = arith.minimumf %min3A_560, %select_n3A_568 : vector<256x128xf32>
    %slice3A_570 = vector.extract_strided_slice %get3A_516 {offsets = [0, 768], sizes = [256, 128], strides = [1, 1]} : vector<256x1024xf32> to vector<256x128xf32>
    %le3A_571 = vector.broadcast %broadcast_in_dim3A_292 : vector<256x1xf32> to vector<256x128xf32>
    %le3A_572 = arith.cmpf ole, %slice3A_570, %le3A_571 : vector<256x128xf32>
    %jit3A_573 = arith.constant 3.840000e+03 : f32
    %jit3A_574 = arith.constant 1.000000e+30 : f32
    %broadcast_in_dim3A_575 = vector.broadcast %jit3A_573 : f32 to vector<256x128xf32>
    %broadcast_in_dim3A_576 = vector.broadcast %jit3A_574 : f32 to vector<256x128xf32>
    %select_n3A_577 = arith.select %le3A_572, %broadcast_in_dim3A_575, %broadcast_in_dim3A_576 : vector<256x128xi1>, vector<256x128xf32>
    %min3A_578 = arith.minimumf %min3A_569, %select_n3A_577 : vector<256x128xf32>
    %slice3A_579 = vector.extract_strided_slice %get3A_516 {offsets = [0, 896], sizes = [256, 128], strides = [1, 1]} : vector<256x1024xf32> to vector<256x128xf32>
    %le3A_580 = vector.broadcast %broadcast_in_dim3A_292 : vector<256x1xf32> to vector<256x128xf32>
    %le3A_581 = arith.cmpf ole, %slice3A_579, %le3A_580 : vector<256x128xf32>
    %jit3A_582 = arith.constant 3.968000e+03 : f32
    %jit3A_583 = arith.constant 1.000000e+30 : f32
    %broadcast_in_dim3A_584 = vector.broadcast %jit3A_582 : f32 to vector<256x128xf32>
    %broadcast_in_dim3A_585 = vector.broadcast %jit3A_583 : f32 to vector<256x128xf32>
    %select_n3A_586 = arith.select %le3A_581, %broadcast_in_dim3A_584, %broadcast_in_dim3A_585 : vector<256x128xi1>, vector<256x128xf32>
    %min3A_587 = arith.minimumf %min3A_578, %select_n3A_586 : vector<256x128xf32>
    %min3A_588 = arith.minimumf %min3A_513, %min3A_587 : vector<256x128xf32>
    %get3A_589 = arith.constant 0 : index
    %get3A_590 = arith.constant 4096 : index
    %get3A_591 = vector.load %arg7[%get3A_589, %get3A_590] : memref<256x8192xf32, #tpu.memory_space<vmem>>, vector<256x1024xf32>
    %slice3A_592 = vector.extract_strided_slice %get3A_591 {offsets = [0, 0], sizes = [256, 128], strides = [1, 1]} : vector<256x1024xf32> to vector<256x128xf32>
    %le3A_593 = vector.broadcast %broadcast_in_dim3A_292 : vector<256x1xf32> to vector<256x128xf32>
    %le3A_594 = arith.cmpf ole, %slice3A_592, %le3A_593 : vector<256x128xf32>
    %jit3A_595 = arith.constant 4.096000e+03 : f32
    %jit3A_596 = arith.constant 1.000000e+30 : f32
    %broadcast_in_dim3A_597 = vector.broadcast %jit3A_595 : f32 to vector<256x128xf32>
    %broadcast_in_dim3A_598 = vector.broadcast %jit3A_596 : f32 to vector<256x128xf32>
    %select_n3A_599 = arith.select %le3A_594, %broadcast_in_dim3A_597, %broadcast_in_dim3A_598 : vector<256x128xi1>, vector<256x128xf32>
    %slice3A_600 = vector.extract_strided_slice %get3A_591 {offsets = [0, 128], sizes = [256, 128], strides = [1, 1]} : vector<256x1024xf32> to vector<256x128xf32>
    %le3A_601 = vector.broadcast %broadcast_in_dim3A_292 : vector<256x1xf32> to vector<256x128xf32>
    %le3A_602 = arith.cmpf ole, %slice3A_600, %le3A_601 : vector<256x128xf32>
    %jit3A_603 = arith.constant 4.224000e+03 : f32
    %jit3A_604 = arith.constant 1.000000e+30 : f32
    %broadcast_in_dim3A_605 = vector.broadcast %jit3A_603 : f32 to vector<256x128xf32>
    %broadcast_in_dim3A_606 = vector.broadcast %jit3A_604 : f32 to vector<256x128xf32>
    %select_n3A_607 = arith.select %le3A_602, %broadcast_in_dim3A_605, %broadcast_in_dim3A_606 : vector<256x128xi1>, vector<256x128xf32>
    %min3A_608 = arith.minimumf %select_n3A_599, %select_n3A_607 : vector<256x128xf32>
    %slice3A_609 = vector.extract_strided_slice %get3A_591 {offsets = [0, 256], sizes = [256, 128], strides = [1, 1]} : vector<256x1024xf32> to vector<256x128xf32>
    %le3A_610 = vector.broadcast %broadcast_in_dim3A_292 : vector<256x1xf32> to vector<256x128xf32>
    %le3A_611 = arith.cmpf ole, %slice3A_609, %le3A_610 : vector<256x128xf32>
    %jit3A_612 = arith.constant 4.352000e+03 : f32
    %jit3A_613 = arith.constant 1.000000e+30 : f32
    %broadcast_in_dim3A_614 = vector.broadcast %jit3A_612 : f32 to vector<256x128xf32>
    %broadcast_in_dim3A_615 = vector.broadcast %jit3A_613 : f32 to vector<256x128xf32>
    %select_n3A_616 = arith.select %le3A_611, %broadcast_in_dim3A_614, %broadcast_in_dim3A_615 : vector<256x128xi1>, vector<256x128xf32>
    %min3A_617 = arith.minimumf %min3A_608, %select_n3A_616 : vector<256x128xf32>
    %slice3A_618 = vector.extract_strided_slice %get3A_591 {offsets = [0, 384], sizes = [256, 128], strides = [1, 1]} : vector<256x1024xf32> to vector<256x128xf32>
    %le3A_619 = vector.broadcast %broadcast_in_dim3A_292 : vector<256x1xf32> to vector<256x128xf32>
    %le3A_620 = arith.cmpf ole, %slice3A_618, %le3A_619 : vector<256x128xf32>
    %jit3A_621 = arith.constant 4.480000e+03 : f32
    %jit3A_622 = arith.constant 1.000000e+30 : f32
    %broadcast_in_dim3A_623 = vector.broadcast %jit3A_621 : f32 to vector<256x128xf32>
    %broadcast_in_dim3A_624 = vector.broadcast %jit3A_622 : f32 to vector<256x128xf32>
    %select_n3A_625 = arith.select %le3A_620, %broadcast_in_dim3A_623, %broadcast_in_dim3A_624 : vector<256x128xi1>, vector<256x128xf32>
    %min3A_626 = arith.minimumf %min3A_617, %select_n3A_625 : vector<256x128xf32>
    %slice3A_627 = vector.extract_strided_slice %get3A_591 {offsets = [0, 512], sizes = [256, 128], strides = [1, 1]} : vector<256x1024xf32> to vector<256x128xf32>
    %le3A_628 = vector.broadcast %broadcast_in_dim3A_292 : vector<256x1xf32> to vector<256x128xf32>
    %le3A_629 = arith.cmpf ole, %slice3A_627, %le3A_628 : vector<256x128xf32>
    %jit3A_630 = arith.constant 4.608000e+03 : f32
    %jit3A_631 = arith.constant 1.000000e+30 : f32
    %broadcast_in_dim3A_632 = vector.broadcast %jit3A_630 : f32 to vector<256x128xf32>
    %broadcast_in_dim3A_633 = vector.broadcast %jit3A_631 : f32 to vector<256x128xf32>
    %select_n3A_634 = arith.select %le3A_629, %broadcast_in_dim3A_632, %broadcast_in_dim3A_633 : vector<256x128xi1>, vector<256x128xf32>
    %min3A_635 = arith.minimumf %min3A_626, %select_n3A_634 : vector<256x128xf32>
    %slice3A_636 = vector.extract_strided_slice %get3A_591 {offsets = [0, 640], sizes = [256, 128], strides = [1, 1]} : vector<256x1024xf32> to vector<256x128xf32>
    %le3A_637 = vector.broadcast %broadcast_in_dim3A_292 : vector<256x1xf32> to vector<256x128xf32>
    %le3A_638 = arith.cmpf ole, %slice3A_636, %le3A_637 : vector<256x128xf32>
    %jit3A_639 = arith.constant 4.736000e+03 : f32
    %jit3A_640 = arith.constant 1.000000e+30 : f32
    %broadcast_in_dim3A_641 = vector.broadcast %jit3A_639 : f32 to vector<256x128xf32>
    %broadcast_in_dim3A_642 = vector.broadcast %jit3A_640 : f32 to vector<256x128xf32>
    %select_n3A_643 = arith.select %le3A_638, %broadcast_in_dim3A_641, %broadcast_in_dim3A_642 : vector<256x128xi1>, vector<256x128xf32>
    %min3A_644 = arith.minimumf %min3A_635, %select_n3A_643 : vector<256x128xf32>
    %slice3A_645 = vector.extract_strided_slice %get3A_591 {offsets = [0, 768], sizes = [256, 128], strides = [1, 1]} : vector<256x1024xf32> to vector<256x128xf32>
    %le3A_646 = vector.broadcast %broadcast_in_dim3A_292 : vector<256x1xf32> to vector<256x128xf32>
    %le3A_647 = arith.cmpf ole, %slice3A_645, %le3A_646 : vector<256x128xf32>
    %jit3A_648 = arith.constant 4.864000e+03 : f32
    %jit3A_649 = arith.constant 1.000000e+30 : f32
    %broadcast_in_dim3A_650 = vector.broadcast %jit3A_648 : f32 to vector<256x128xf32>
    %broadcast_in_dim3A_651 = vector.broadcast %jit3A_649 : f32 to vector<256x128xf32>
    %select_n3A_652 = arith.select %le3A_647, %broadcast_in_dim3A_650, %broadcast_in_dim3A_651 : vector<256x128xi1>, vector<256x128xf32>
    %min3A_653 = arith.minimumf %min3A_644, %select_n3A_652 : vector<256x128xf32>
    %slice3A_654 = vector.extract_strided_slice %get3A_591 {offsets = [0, 896], sizes = [256, 128], strides = [1, 1]} : vector<256x1024xf32> to vector<256x128xf32>
    %le3A_655 = vector.broadcast %broadcast_in_dim3A_292 : vector<256x1xf32> to vector<256x128xf32>
    %le3A_656 = arith.cmpf ole, %slice3A_654, %le3A_655 : vector<256x128xf32>
    %jit3A_657 = arith.constant 4.992000e+03 : f32
    %jit3A_658 = arith.constant 1.000000e+30 : f32
    %broadcast_in_dim3A_659 = vector.broadcast %jit3A_657 : f32 to vector<256x128xf32>
    %broadcast_in_dim3A_660 = vector.broadcast %jit3A_658 : f32 to vector<256x128xf32>
    %select_n3A_661 = arith.select %le3A_656, %broadcast_in_dim3A_659, %broadcast_in_dim3A_660 : vector<256x128xi1>, vector<256x128xf32>
    %min3A_662 = arith.minimumf %min3A_653, %select_n3A_661 : vector<256x128xf32>
    %min3A_663 = arith.minimumf %min3A_588, %min3A_662 : vector<256x128xf32>
    %get3A_664 = arith.constant 0 : index
    %get3A_665 = arith.constant 5120 : index
    %get3A_666 = vector.load %arg7[%get3A_664, %get3A_665] : memref<256x8192xf32, #tpu.memory_space<vmem>>, vector<256x1024xf32>
    %slice3A_667 = vector.extract_strided_slice %get3A_666 {offsets = [0, 0], sizes = [256, 128], strides = [1, 1]} : vector<256x1024xf32> to vector<256x128xf32>
    %le3A_668 = vector.broadcast %broadcast_in_dim3A_292 : vector<256x1xf32> to vector<256x128xf32>
    %le3A_669 = arith.cmpf ole, %slice3A_667, %le3A_668 : vector<256x128xf32>
    %jit3A_670 = arith.constant 5.120000e+03 : f32
    %jit3A_671 = arith.constant 1.000000e+30 : f32
    %broadcast_in_dim3A_672 = vector.broadcast %jit3A_670 : f32 to vector<256x128xf32>
    %broadcast_in_dim3A_673 = vector.broadcast %jit3A_671 : f32 to vector<256x128xf32>
    %select_n3A_674 = arith.select %le3A_669, %broadcast_in_dim3A_672, %broadcast_in_dim3A_673 : vector<256x128xi1>, vector<256x128xf32>
    %slice3A_675 = vector.extract_strided_slice %get3A_666 {offsets = [0, 128], sizes = [256, 128], strides = [1, 1]} : vector<256x1024xf32> to vector<256x128xf32>
    %le3A_676 = vector.broadcast %broadcast_in_dim3A_292 : vector<256x1xf32> to vector<256x128xf32>
    %le3A_677 = arith.cmpf ole, %slice3A_675, %le3A_676 : vector<256x128xf32>
    %jit3A_678 = arith.constant 5.248000e+03 : f32
    %jit3A_679 = arith.constant 1.000000e+30 : f32
    %broadcast_in_dim3A_680 = vector.broadcast %jit3A_678 : f32 to vector<256x128xf32>
    %broadcast_in_dim3A_681 = vector.broadcast %jit3A_679 : f32 to vector<256x128xf32>
    %select_n3A_682 = arith.select %le3A_677, %broadcast_in_dim3A_680, %broadcast_in_dim3A_681 : vector<256x128xi1>, vector<256x128xf32>
    %min3A_683 = arith.minimumf %select_n3A_674, %select_n3A_682 : vector<256x128xf32>
    %slice3A_684 = vector.extract_strided_slice %get3A_666 {offsets = [0, 256], sizes = [256, 128], strides = [1, 1]} : vector<256x1024xf32> to vector<256x128xf32>
    %le3A_685 = vector.broadcast %broadcast_in_dim3A_292 : vector<256x1xf32> to vector<256x128xf32>
    %le3A_686 = arith.cmpf ole, %slice3A_684, %le3A_685 : vector<256x128xf32>
    %jit3A_687 = arith.constant 5.376000e+03 : f32
    %jit3A_688 = arith.constant 1.000000e+30 : f32
    %broadcast_in_dim3A_689 = vector.broadcast %jit3A_687 : f32 to vector<256x128xf32>
    %broadcast_in_dim3A_690 = vector.broadcast %jit3A_688 : f32 to vector<256x128xf32>
    %select_n3A_691 = arith.select %le3A_686, %broadcast_in_dim3A_689, %broadcast_in_dim3A_690 : vector<256x128xi1>, vector<256x128xf32>
    %min3A_692 = arith.minimumf %min3A_683, %select_n3A_691 : vector<256x128xf32>
    %slice3A_693 = vector.extract_strided_slice %get3A_666 {offsets = [0, 384], sizes = [256, 128], strides = [1, 1]} : vector<256x1024xf32> to vector<256x128xf32>
    %le3A_694 = vector.broadcast %broadcast_in_dim3A_292 : vector<256x1xf32> to vector<256x128xf32>
    %le3A_695 = arith.cmpf ole, %slice3A_693, %le3A_694 : vector<256x128xf32>
    %jit3A_696 = arith.constant 5.504000e+03 : f32
    %jit3A_697 = arith.constant 1.000000e+30 : f32
    %broadcast_in_dim3A_698 = vector.broadcast %jit3A_696 : f32 to vector<256x128xf32>
    %broadcast_in_dim3A_699 = vector.broadcast %jit3A_697 : f32 to vector<256x128xf32>
    %select_n3A_700 = arith.select %le3A_695, %broadcast_in_dim3A_698, %broadcast_in_dim3A_699 : vector<256x128xi1>, vector<256x128xf32>
    %min3A_701 = arith.minimumf %min3A_692, %select_n3A_700 : vector<256x128xf32>
    %slice3A_702 = vector.extract_strided_slice %get3A_666 {offsets = [0, 512], sizes = [256, 128], strides = [1, 1]} : vector<256x1024xf32> to vector<256x128xf32>
    %le3A_703 = vector.broadcast %broadcast_in_dim3A_292 : vector<256x1xf32> to vector<256x128xf32>
    %le3A_704 = arith.cmpf ole, %slice3A_702, %le3A_703 : vector<256x128xf32>
    %jit3A_705 = arith.constant 5.632000e+03 : f32
    %jit3A_706 = arith.constant 1.000000e+30 : f32
    %broadcast_in_dim3A_707 = vector.broadcast %jit3A_705 : f32 to vector<256x128xf32>
    %broadcast_in_dim3A_708 = vector.broadcast %jit3A_706 : f32 to vector<256x128xf32>
    %select_n3A_709 = arith.select %le3A_704, %broadcast_in_dim3A_707, %broadcast_in_dim3A_708 : vector<256x128xi1>, vector<256x128xf32>
    %min3A_710 = arith.minimumf %min3A_701, %select_n3A_709 : vector<256x128xf32>
    %slice3A_711 = vector.extract_strided_slice %get3A_666 {offsets = [0, 640], sizes = [256, 128], strides = [1, 1]} : vector<256x1024xf32> to vector<256x128xf32>
    %le3A_712 = vector.broadcast %broadcast_in_dim3A_292 : vector<256x1xf32> to vector<256x128xf32>
    %le3A_713 = arith.cmpf ole, %slice3A_711, %le3A_712 : vector<256x128xf32>
    %jit3A_714 = arith.constant 5.760000e+03 : f32
    %jit3A_715 = arith.constant 1.000000e+30 : f32
    %broadcast_in_dim3A_716 = vector.broadcast %jit3A_714 : f32 to vector<256x128xf32>
    %broadcast_in_dim3A_717 = vector.broadcast %jit3A_715 : f32 to vector<256x128xf32>
    %select_n3A_718 = arith.select %le3A_713, %broadcast_in_dim3A_716, %broadcast_in_dim3A_717 : vector<256x128xi1>, vector<256x128xf32>
    %min3A_719 = arith.minimumf %min3A_710, %select_n3A_718 : vector<256x128xf32>
    %slice3A_720 = vector.extract_strided_slice %get3A_666 {offsets = [0, 768], sizes = [256, 128], strides = [1, 1]} : vector<256x1024xf32> to vector<256x128xf32>
    %le3A_721 = vector.broadcast %broadcast_in_dim3A_292 : vector<256x1xf32> to vector<256x128xf32>
    %le3A_722 = arith.cmpf ole, %slice3A_720, %le3A_721 : vector<256x128xf32>
    %jit3A_723 = arith.constant 5.888000e+03 : f32
    %jit3A_724 = arith.constant 1.000000e+30 : f32
    %broadcast_in_dim3A_725 = vector.broadcast %jit3A_723 : f32 to vector<256x128xf32>
    %broadcast_in_dim3A_726 = vector.broadcast %jit3A_724 : f32 to vector<256x128xf32>
    %select_n3A_727 = arith.select %le3A_722, %broadcast_in_dim3A_725, %broadcast_in_dim3A_726 : vector<256x128xi1>, vector<256x128xf32>
    %min3A_728 = arith.minimumf %min3A_719, %select_n3A_727 : vector<256x128xf32>
    %slice3A_729 = vector.extract_strided_slice %get3A_666 {offsets = [0, 896], sizes = [256, 128], strides = [1, 1]} : vector<256x1024xf32> to vector<256x128xf32>
    %le3A_730 = vector.broadcast %broadcast_in_dim3A_292 : vector<256x1xf32> to vector<256x128xf32>
    %le3A_731 = arith.cmpf ole, %slice3A_729, %le3A_730 : vector<256x128xf32>
    %jit3A_732 = arith.constant 6.016000e+03 : f32
    %jit3A_733 = arith.constant 1.000000e+30 : f32
    %broadcast_in_dim3A_734 = vector.broadcast %jit3A_732 : f32 to vector<256x128xf32>
    %broadcast_in_dim3A_735 = vector.broadcast %jit3A_733 : f32 to vector<256x128xf32>
    %select_n3A_736 = arith.select %le3A_731, %broadcast_in_dim3A_734, %broadcast_in_dim3A_735 : vector<256x128xi1>, vector<256x128xf32>
    %min3A_737 = arith.minimumf %min3A_728, %select_n3A_736 : vector<256x128xf32>
    %min3A_738 = arith.minimumf %min3A_663, %min3A_737 : vector<256x128xf32>
    %get3A_739 = arith.constant 0 : index
    %get3A_740 = arith.constant 6144 : index
    %get3A_741 = vector.load %arg7[%get3A_739, %get3A_740] : memref<256x8192xf32, #tpu.memory_space<vmem>>, vector<256x1024xf32>
    %slice3A_742 = vector.extract_strided_slice %get3A_741 {offsets = [0, 0], sizes = [256, 128], strides = [1, 1]} : vector<256x1024xf32> to vector<256x128xf32>
    %le3A_743 = vector.broadcast %broadcast_in_dim3A_292 : vector<256x1xf32> to vector<256x128xf32>
    %le3A_744 = arith.cmpf ole, %slice3A_742, %le3A_743 : vector<256x128xf32>
    %jit3A_745 = arith.constant 6.144000e+03 : f32
    %jit3A_746 = arith.constant 1.000000e+30 : f32
    %broadcast_in_dim3A_747 = vector.broadcast %jit3A_745 : f32 to vector<256x128xf32>
    %broadcast_in_dim3A_748 = vector.broadcast %jit3A_746 : f32 to vector<256x128xf32>
    %select_n3A_749 = arith.select %le3A_744, %broadcast_in_dim3A_747, %broadcast_in_dim3A_748 : vector<256x128xi1>, vector<256x128xf32>
    %slice3A_750 = vector.extract_strided_slice %get3A_741 {offsets = [0, 128], sizes = [256, 128], strides = [1, 1]} : vector<256x1024xf32> to vector<256x128xf32>
    %le3A_751 = vector.broadcast %broadcast_in_dim3A_292 : vector<256x1xf32> to vector<256x128xf32>
    %le3A_752 = arith.cmpf ole, %slice3A_750, %le3A_751 : vector<256x128xf32>
    %jit3A_753 = arith.constant 6.272000e+03 : f32
    %jit3A_754 = arith.constant 1.000000e+30 : f32
    %broadcast_in_dim3A_755 = vector.broadcast %jit3A_753 : f32 to vector<256x128xf32>
    %broadcast_in_dim3A_756 = vector.broadcast %jit3A_754 : f32 to vector<256x128xf32>
    %select_n3A_757 = arith.select %le3A_752, %broadcast_in_dim3A_755, %broadcast_in_dim3A_756 : vector<256x128xi1>, vector<256x128xf32>
    %min3A_758 = arith.minimumf %select_n3A_749, %select_n3A_757 : vector<256x128xf32>
    %slice3A_759 = vector.extract_strided_slice %get3A_741 {offsets = [0, 256], sizes = [256, 128], strides = [1, 1]} : vector<256x1024xf32> to vector<256x128xf32>
    %le3A_760 = vector.broadcast %broadcast_in_dim3A_292 : vector<256x1xf32> to vector<256x128xf32>
    %le3A_761 = arith.cmpf ole, %slice3A_759, %le3A_760 : vector<256x128xf32>
    %jit3A_762 = arith.constant 6.400000e+03 : f32
    %jit3A_763 = arith.constant 1.000000e+30 : f32
    %broadcast_in_dim3A_764 = vector.broadcast %jit3A_762 : f32 to vector<256x128xf32>
    %broadcast_in_dim3A_765 = vector.broadcast %jit3A_763 : f32 to vector<256x128xf32>
    %select_n3A_766 = arith.select %le3A_761, %broadcast_in_dim3A_764, %broadcast_in_dim3A_765 : vector<256x128xi1>, vector<256x128xf32>
    %min3A_767 = arith.minimumf %min3A_758, %select_n3A_766 : vector<256x128xf32>
    %slice3A_768 = vector.extract_strided_slice %get3A_741 {offsets = [0, 384], sizes = [256, 128], strides = [1, 1]} : vector<256x1024xf32> to vector<256x128xf32>
    %le3A_769 = vector.broadcast %broadcast_in_dim3A_292 : vector<256x1xf32> to vector<256x128xf32>
    %le3A_770 = arith.cmpf ole, %slice3A_768, %le3A_769 : vector<256x128xf32>
    %jit3A_771 = arith.constant 6.528000e+03 : f32
    %jit3A_772 = arith.constant 1.000000e+30 : f32
    %broadcast_in_dim3A_773 = vector.broadcast %jit3A_771 : f32 to vector<256x128xf32>
    %broadcast_in_dim3A_774 = vector.broadcast %jit3A_772 : f32 to vector<256x128xf32>
    %select_n3A_775 = arith.select %le3A_770, %broadcast_in_dim3A_773, %broadcast_in_dim3A_774 : vector<256x128xi1>, vector<256x128xf32>
    %min3A_776 = arith.minimumf %min3A_767, %select_n3A_775 : vector<256x128xf32>
    %slice3A_777 = vector.extract_strided_slice %get3A_741 {offsets = [0, 512], sizes = [256, 128], strides = [1, 1]} : vector<256x1024xf32> to vector<256x128xf32>
    %le3A_778 = vector.broadcast %broadcast_in_dim3A_292 : vector<256x1xf32> to vector<256x128xf32>
    %le3A_779 = arith.cmpf ole, %slice3A_777, %le3A_778 : vector<256x128xf32>
    %jit3A_780 = arith.constant 6.656000e+03 : f32
    %jit3A_781 = arith.constant 1.000000e+30 : f32
    %broadcast_in_dim3A_782 = vector.broadcast %jit3A_780 : f32 to vector<256x128xf32>
    %broadcast_in_dim3A_783 = vector.broadcast %jit3A_781 : f32 to vector<256x128xf32>
    %select_n3A_784 = arith.select %le3A_779, %broadcast_in_dim3A_782, %broadcast_in_dim3A_783 : vector<256x128xi1>, vector<256x128xf32>
    %min3A_785 = arith.minimumf %min3A_776, %select_n3A_784 : vector<256x128xf32>
    %slice3A_786 = vector.extract_strided_slice %get3A_741 {offsets = [0, 640], sizes = [256, 128], strides = [1, 1]} : vector<256x1024xf32> to vector<256x128xf32>
    %le3A_787 = vector.broadcast %broadcast_in_dim3A_292 : vector<256x1xf32> to vector<256x128xf32>
    %le3A_788 = arith.cmpf ole, %slice3A_786, %le3A_787 : vector<256x128xf32>
    %jit3A_789 = arith.constant 6.784000e+03 : f32
    %jit3A_790 = arith.constant 1.000000e+30 : f32
    %broadcast_in_dim3A_791 = vector.broadcast %jit3A_789 : f32 to vector<256x128xf32>
    %broadcast_in_dim3A_792 = vector.broadcast %jit3A_790 : f32 to vector<256x128xf32>
    %select_n3A_793 = arith.select %le3A_788, %broadcast_in_dim3A_791, %broadcast_in_dim3A_792 : vector<256x128xi1>, vector<256x128xf32>
    %min3A_794 = arith.minimumf %min3A_785, %select_n3A_793 : vector<256x128xf32>
    %slice3A_795 = vector.extract_strided_slice %get3A_741 {offsets = [0, 768], sizes = [256, 128], strides = [1, 1]} : vector<256x1024xf32> to vector<256x128xf32>
    %le3A_796 = vector.broadcast %broadcast_in_dim3A_292 : vector<256x1xf32> to vector<256x128xf32>
    %le3A_797 = arith.cmpf ole, %slice3A_795, %le3A_796 : vector<256x128xf32>
    %jit3A_798 = arith.constant 6.912000e+03 : f32
    %jit3A_799 = arith.constant 1.000000e+30 : f32
    %broadcast_in_dim3A_800 = vector.broadcast %jit3A_798 : f32 to vector<256x128xf32>
    %broadcast_in_dim3A_801 = vector.broadcast %jit3A_799 : f32 to vector<256x128xf32>
    %select_n3A_802 = arith.select %le3A_797, %broadcast_in_dim3A_800, %broadcast_in_dim3A_801 : vector<256x128xi1>, vector<256x128xf32>
    %min3A_803 = arith.minimumf %min3A_794, %select_n3A_802 : vector<256x128xf32>
    %slice3A_804 = vector.extract_strided_slice %get3A_741 {offsets = [0, 896], sizes = [256, 128], strides = [1, 1]} : vector<256x1024xf32> to vector<256x128xf32>
    %le3A_805 = vector.broadcast %broadcast_in_dim3A_292 : vector<256x1xf32> to vector<256x128xf32>
    %le3A_806 = arith.cmpf ole, %slice3A_804, %le3A_805 : vector<256x128xf32>
    %jit3A_807 = arith.constant 7.040000e+03 : f32
    %jit3A_808 = arith.constant 1.000000e+30 : f32
    %broadcast_in_dim3A_809 = vector.broadcast %jit3A_807 : f32 to vector<256x128xf32>
    %broadcast_in_dim3A_810 = vector.broadcast %jit3A_808 : f32 to vector<256x128xf32>
    %select_n3A_811 = arith.select %le3A_806, %broadcast_in_dim3A_809, %broadcast_in_dim3A_810 : vector<256x128xi1>, vector<256x128xf32>
    %min3A_812 = arith.minimumf %min3A_803, %select_n3A_811 : vector<256x128xf32>
    %min3A_813 = arith.minimumf %min3A_738, %min3A_812 : vector<256x128xf32>
    %get3A_814 = arith.constant 0 : index
    %get3A_815 = arith.constant 7168 : index
    %get3A_816 = vector.load %arg7[%get3A_814, %get3A_815] : memref<256x8192xf32, #tpu.memory_space<vmem>>, vector<256x1024xf32>
    %slice3A_817 = vector.extract_strided_slice %get3A_816 {offsets = [0, 0], sizes = [256, 128], strides = [1, 1]} : vector<256x1024xf32> to vector<256x128xf32>
    %le3A_818 = vector.broadcast %broadcast_in_dim3A_292 : vector<256x1xf32> to vector<256x128xf32>
    %le3A_819 = arith.cmpf ole, %slice3A_817, %le3A_818 : vector<256x128xf32>
    %jit3A_820 = arith.constant 7.168000e+03 : f32
    %jit3A_821 = arith.constant 1.000000e+30 : f32
    %broadcast_in_dim3A_822 = vector.broadcast %jit3A_820 : f32 to vector<256x128xf32>
    %broadcast_in_dim3A_823 = vector.broadcast %jit3A_821 : f32 to vector<256x128xf32>
    %select_n3A_824 = arith.select %le3A_819, %broadcast_in_dim3A_822, %broadcast_in_dim3A_823 : vector<256x128xi1>, vector<256x128xf32>
    %slice3A_825 = vector.extract_strided_slice %get3A_816 {offsets = [0, 128], sizes = [256, 128], strides = [1, 1]} : vector<256x1024xf32> to vector<256x128xf32>
    %le3A_826 = vector.broadcast %broadcast_in_dim3A_292 : vector<256x1xf32> to vector<256x128xf32>
    %le3A_827 = arith.cmpf ole, %slice3A_825, %le3A_826 : vector<256x128xf32>
    %jit3A_828 = arith.constant 7.296000e+03 : f32
    %jit3A_829 = arith.constant 1.000000e+30 : f32
    %broadcast_in_dim3A_830 = vector.broadcast %jit3A_828 : f32 to vector<256x128xf32>
    %broadcast_in_dim3A_831 = vector.broadcast %jit3A_829 : f32 to vector<256x128xf32>
    %select_n3A_832 = arith.select %le3A_827, %broadcast_in_dim3A_830, %broadcast_in_dim3A_831 : vector<256x128xi1>, vector<256x128xf32>
    %min3A_833 = arith.minimumf %select_n3A_824, %select_n3A_832 : vector<256x128xf32>
    %slice3A_834 = vector.extract_strided_slice %get3A_816 {offsets = [0, 256], sizes = [256, 128], strides = [1, 1]} : vector<256x1024xf32> to vector<256x128xf32>
    %le3A_835 = vector.broadcast %broadcast_in_dim3A_292 : vector<256x1xf32> to vector<256x128xf32>
    %le3A_836 = arith.cmpf ole, %slice3A_834, %le3A_835 : vector<256x128xf32>
    %jit3A_837 = arith.constant 7.424000e+03 : f32
    %jit3A_838 = arith.constant 1.000000e+30 : f32
    %broadcast_in_dim3A_839 = vector.broadcast %jit3A_837 : f32 to vector<256x128xf32>
    %broadcast_in_dim3A_840 = vector.broadcast %jit3A_838 : f32 to vector<256x128xf32>
    %select_n3A_841 = arith.select %le3A_836, %broadcast_in_dim3A_839, %broadcast_in_dim3A_840 : vector<256x128xi1>, vector<256x128xf32>
    %min3A_842 = arith.minimumf %min3A_833, %select_n3A_841 : vector<256x128xf32>
    %slice3A_843 = vector.extract_strided_slice %get3A_816 {offsets = [0, 384], sizes = [256, 128], strides = [1, 1]} : vector<256x1024xf32> to vector<256x128xf32>
    %le3A_844 = vector.broadcast %broadcast_in_dim3A_292 : vector<256x1xf32> to vector<256x128xf32>
    %le3A_845 = arith.cmpf ole, %slice3A_843, %le3A_844 : vector<256x128xf32>
    %jit3A_846 = arith.constant 7.552000e+03 : f32
    %jit3A_847 = arith.constant 1.000000e+30 : f32
    %broadcast_in_dim3A_848 = vector.broadcast %jit3A_846 : f32 to vector<256x128xf32>
    %broadcast_in_dim3A_849 = vector.broadcast %jit3A_847 : f32 to vector<256x128xf32>
    %select_n3A_850 = arith.select %le3A_845, %broadcast_in_dim3A_848, %broadcast_in_dim3A_849 : vector<256x128xi1>, vector<256x128xf32>
    %min3A_851 = arith.minimumf %min3A_842, %select_n3A_850 : vector<256x128xf32>
    %slice3A_852 = vector.extract_strided_slice %get3A_816 {offsets = [0, 512], sizes = [256, 128], strides = [1, 1]} : vector<256x1024xf32> to vector<256x128xf32>
    %le3A_853 = vector.broadcast %broadcast_in_dim3A_292 : vector<256x1xf32> to vector<256x128xf32>
    %le3A_854 = arith.cmpf ole, %slice3A_852, %le3A_853 : vector<256x128xf32>
    %jit3A_855 = arith.constant 7.680000e+03 : f32
    %jit3A_856 = arith.constant 1.000000e+30 : f32
    %broadcast_in_dim3A_857 = vector.broadcast %jit3A_855 : f32 to vector<256x128xf32>
    %broadcast_in_dim3A_858 = vector.broadcast %jit3A_856 : f32 to vector<256x128xf32>
    %select_n3A_859 = arith.select %le3A_854, %broadcast_in_dim3A_857, %broadcast_in_dim3A_858 : vector<256x128xi1>, vector<256x128xf32>
    %min3A_860 = arith.minimumf %min3A_851, %select_n3A_859 : vector<256x128xf32>
    %slice3A_861 = vector.extract_strided_slice %get3A_816 {offsets = [0, 640], sizes = [256, 128], strides = [1, 1]} : vector<256x1024xf32> to vector<256x128xf32>
    %le3A_862 = vector.broadcast %broadcast_in_dim3A_292 : vector<256x1xf32> to vector<256x128xf32>
    %le3A_863 = arith.cmpf ole, %slice3A_861, %le3A_862 : vector<256x128xf32>
    %jit3A_864 = arith.constant 7.808000e+03 : f32
    %jit3A_865 = arith.constant 1.000000e+30 : f32
    %broadcast_in_dim3A_866 = vector.broadcast %jit3A_864 : f32 to vector<256x128xf32>
    %broadcast_in_dim3A_867 = vector.broadcast %jit3A_865 : f32 to vector<256x128xf32>
    %select_n3A_868 = arith.select %le3A_863, %broadcast_in_dim3A_866, %broadcast_in_dim3A_867 : vector<256x128xi1>, vector<256x128xf32>
    %min3A_869 = arith.minimumf %min3A_860, %select_n3A_868 : vector<256x128xf32>
    %slice3A_870 = vector.extract_strided_slice %get3A_816 {offsets = [0, 768], sizes = [256, 128], strides = [1, 1]} : vector<256x1024xf32> to vector<256x128xf32>
    %le3A_871 = vector.broadcast %broadcast_in_dim3A_292 : vector<256x1xf32> to vector<256x128xf32>
    %le3A_872 = arith.cmpf ole, %slice3A_870, %le3A_871 : vector<256x128xf32>
    %jit3A_873 = arith.constant 7.936000e+03 : f32
    %jit3A_874 = arith.constant 1.000000e+30 : f32
    %broadcast_in_dim3A_875 = vector.broadcast %jit3A_873 : f32 to vector<256x128xf32>
    %broadcast_in_dim3A_876 = vector.broadcast %jit3A_874 : f32 to vector<256x128xf32>
    %select_n3A_877 = arith.select %le3A_872, %broadcast_in_dim3A_875, %broadcast_in_dim3A_876 : vector<256x128xi1>, vector<256x128xf32>
    %min3A_878 = arith.minimumf %min3A_869, %select_n3A_877 : vector<256x128xf32>
    %slice3A_879 = vector.extract_strided_slice %get3A_816 {offsets = [0, 896], sizes = [256, 128], strides = [1, 1]} : vector<256x1024xf32> to vector<256x128xf32>
    %le3A_880 = vector.broadcast %broadcast_in_dim3A_292 : vector<256x1xf32> to vector<256x128xf32>
    %le3A_881 = arith.cmpf ole, %slice3A_879, %le3A_880 : vector<256x128xf32>
    %jit3A_882 = arith.constant 8.064000e+03 : f32
    %jit3A_883 = arith.constant 1.000000e+30 : f32
    %broadcast_in_dim3A_884 = vector.broadcast %jit3A_882 : f32 to vector<256x128xf32>
    %broadcast_in_dim3A_885 = vector.broadcast %jit3A_883 : f32 to vector<256x128xf32>
    %select_n3A_886 = arith.select %le3A_881, %broadcast_in_dim3A_884, %broadcast_in_dim3A_885 : vector<256x128xi1>, vector<256x128xf32>
    %min3A_887 = arith.minimumf %min3A_878, %select_n3A_886 : vector<256x128xf32>
    %min3A_888 = arith.minimumf %min3A_813, %min3A_887 : vector<256x128xf32>
    %add3A_889 = arith.addf %min3A_888, %convert_element_type3A : vector<256x128xf32>
    %reduce_min3A_890 = arith.constant dense<0x7F800000> : vector<256xf32>
    %reduce_min3A_891 = vector.multi_reduction <minimumf>, %add3A_889, %reduce_min3A_890 [1] : vector<256x128xf32> to vector<256xf32>
    %broadcast_in_dim3A_892 = vector.shape_cast %reduce_min3A_891 : vector<256xf32> to vector<256x1xf32>
    %mul3A = arith.mulf %broadcast_in_dim3A_292, %broadcast_in_dim3A_292 : vector<256x1xf32>
    %swap3A_893 = arith.constant 0 : index
    %swap3A_894 = arith.constant 0 : index
    %swap3A_895 = vector.load %arg5[%swap3A_893, %swap3A_894] : memref<256x1xf32, #tpu.memory_space<vmem>>, vector<256x1xf32>
    tpu.vector_store %arg5[%swap3A_893, %swap3A_894], %broadcast_in_dim3A_892 {strides = array<i32>} : memref<256x1xf32, #tpu.memory_space<vmem>>, vector<256x1xf32>,
    %reduce_sum3A = vector.shape_cast %mul3A : vector<256x1xf32> to vector<1x256x1xf32>
    %reduce_sum3A_896 = arith.constant dense<0.000000e+00> : vector<1xf32>
    %reduce_sum3A_897 = vector.multi_reduction <add>, %reduce_sum3A, %reduce_sum3A_896 [1, 2] : vector<1x256x1xf32> to vector<1xf32>
    %reduce_sum3A_898 = vector.shape_cast %reduce_sum3A_897 : vector<1xf32> to vector<1x1x1xf32>
    %reduce_sum3A_899 = vector.extract %reduce_sum3A_898[0, 0, 0] : f32 from vector<1x1x1xf32>
    %eq3A = arith.constant 0 : i32
    %eq3A_900 = arith.cmpi eq, %arg0, %eq3A : i32
    %get3A_901 = arith.constant 0 : index
    %get3A_902 = memref.load %arg8[%get3A_901] : memref<1xf32, #tpu.memory_space<smem>>
    %jit3A_903 = arith.constant 0.000000e+00 : f32
    %select_n3A_904 = arith.select %eq3A_900, %jit3A_903, %get3A_902 : f32
    %add3A_905 = arith.addf %select_n3A_904, %reduce_sum3A_899 : f32
    %swap3A_906 = arith.constant 0 : index
    %swap3A_907 = memref.load %arg8[%swap3A_906] : memref<1xf32, #tpu.memory_space<smem>>
    memref.store %add3A_905, %arg8[%swap3A_906] : memref<1xf32, #tpu.memory_space<smem>>
    %div3A = arith.constant 0x4A800000 : f32
    %div3A_908 = arith.divf %add3A_905, %div3A : f32
    %mul3A_909 = arith.constant 2.500000e-01 : f32
    %mul3A_910 = arith.mulf %mul3A_909, %div3A_908 : f32
    %add3A_911 = arith.addf %div3A_908, %mul3A_910 : f32
    %reshape3A = vector.broadcast %add3A_911 : f32 to vector<1x1xf32>
    %swap3A_912 = arith.constant 0 : index
    %swap3A_913 = arith.constant 0 : index
    %swap3A_914 = vector.load %arg6[%swap3A_912, %swap3A_913] : memref<1x1xf32, #tpu.memory_space<vmem>>, vector<1x1xf32>
    tpu.vector_store %arg6[%swap3A_912, %swap3A_913], %reshape3A {strides = array<i32>} : memref<1x1xf32, #tpu.memory_space<vmem>>, vector<1x1xf32>,
    return
  }
  func.func @transform_0(%arg0: i32) -> (i32, i32) {
    %c0_i32 = arith.constant 0 : i32
    %c0_i32_0 = arith.constant 0 : i32
    return %arg0, %c0_i32 : i32, i32
  }
  func.func @transform_1(%arg0: i32) -> (i32, i32) {
    %c0_i32 = arith.constant 0 : i32
    %c0_i32_0 = arith.constant 0 : i32
    return %arg0, %c0_i32 : i32, i32
  }
  func.func @transform_2(%arg0: i32) -> (i32, i32) {
    %c0_i32 = arith.constant 0 : i32
    %c0_i32_0 = arith.constant 0 : i32
    %c0_i32_1 = arith.constant 0 : i32
    return %c0_i32, %c0_i32_0 : i32, i32
  }
  func.func @transform_3(%arg0: i32) -> (i32, i32) {
    %c0_i32 = arith.constant 0 : i32
    %c0_i32_0 = arith.constant 0 : i32
    %c0_i32_1 = arith.constant 0 : i32
    return %c0_i32, %c0_i32_0 : i32, i32
  }
  func.func @transform_4(%arg0: i32) -> (i32, i32) {
    %c0_i32 = arith.constant 0 : i32
    %c0_i32_0 = arith.constant 0 : i32
    return %arg0, %c0_i32 : i32, i32
  }
  func.func @transform_5(%arg0: i32) -> (i32, i32) {
    %c0_i32 = arith.constant 0 : i32
    %c0_i32_0 = arith.constant 0 : i32
    %c0_i32_1 = arith.constant 0 : i32
    return %c0_i32, %c0_i32_0 : i32, i32
  }
}

</mosaic_0001>

<sc_bundles>
// kernel: kernel.4.cloned.1.call-start
scs
__scs_entry_jumppad:
0x0: {  	(pc) =	sbr.rel $0x88, $3  }
0x1: {  	(tag) =	ssettag $0x0;
	lr =	simm.s32 $0x1  }
0x2: {  	[smem:$0x3F9F] =	sst lr;
	_ =	strace $0xD0000000  }
0x3: {  	_ = 	snop  }
0x4: {  	_ = 	snop  }
0x5: {  	_ = 	snop  }
0x6: {  	_ = 	snop  }
0x7: {  	_ = 	snop  }
__scs_overlays_trampoline_lowered:
0x8: {  	[smem:$0x3FAE] =	sst s0  }
0x9: {  	[smem:$0x3FAF] =	sst s1  }
0xa: {  	[smem:$0x3FB0] =	sst s2  }
0xb: {  	[smem:$0x3FB1] =	sst s3  }
0xc: {  	[smem:$0x3FB2] =	sst s4  }
0xd: {  	[smem:$0x3FB3] =	sst s5  }
0xe: {  	[smem:$0x3FB4] =	sst s6  }
0xf: {  	[smem:$0x3FB5] =	sst s7  }
0x10: {  	[smem:$0x3FB6] =	sst s8  }
0x11: {  	[smem:$0x3FB7] =	sst s9;
	s0 =	simm.s32 @!p0 $0x0  }
0x12: {  	s1 =	sld [smem:$0x3F9D];
	s0 =	simm.s32 @p0 $0x1  }
0x13: {  	[smem:$0x3FB8] =	sst s0;
	s0 =	simm.s32 @!p1 $0x0  }
0x14: {  	s2 =	sld [smem:$0x3F9C];
	s0 =	simm.s32 @p1 $0x1  }
0x15: {  	[smem:$0x3FB9] =	sst s0;
	s0 =	simm.s32 @!p2 $0x0  }
0x16: {  	s3 =	sld [smem:$0x3FDB];
	s0 =	simm.s32 @p2 $0x1  }
0x17: {  	s4 =	simm.s32 $0x1BF5;
	[smem:$0x3FBB] =	sst s0  }
0x18: {  	s0 =	sld [smem:$0x3F9E];
	_ =	swait.ge [sflag:s4], $0x0  }
0x19: {  	s7 =	sld [smem:$0x3F9F]  }
0x1a: {  	s8 =	sadd.s32 $0xFFFFE003, lr  }
0x1b: {  	s9 =	sadd.s32 $0xFFFFFEF7, lr;
	s5 =	simm.s32 $0xFFFFFFFF;
	p2 =	slt.u32 s8, $0xFFFFF086  }
0x1c: {  	p1 =	slt.u32 s9, $0xF7A;
	s5 =	simm.s32 @!p2 $0x0  }
0x1d: {  	s5 =	simm.s32 @p1 $0x1;
	p0 =	seq.s32 s7, s2  }
0x1e: {  	s7 =	smul.u32 @!p0 $0xF7A, s2;
	p2 =	seq.s32 @!p0 s5, $0x0  }
0x1f: {  	s9 =	smul.u32 $0xF7A, s1;
	s8 =	simm.s32 @!p0 $0x1BF5;
	p2 =	por !p2, p0  }
0x20: {  	[sflag:s8] =	ssyncset.s32 @!p0 $0xFFFFF086;
	s6 =	sadd.s32 @!p0 s3, s7;
	s7 =	simm.s32 @!p0 $0x108  }
0x21: {  	s3 =	sadd.s32 s3, s9;
	s6 =	sadd.s32 @!p0 $0x88, s6;
	s7 =	simm.s32 @p2 $0x1082  }
0x22: {  	[simem:s7], [sflag:s8] =	dma.local @!p0 [hbm:s6], $0xF7A  }
0x23: {  	s9 =	sor.u32 $0xD0000000, s2;
	s6 =	simm.s32 $0x108;
	_ =	swait.ge @!p0 [sflag:s8], $0x0  }
0x24: {  	s3 =	sadd.s32 $0x88, s3;
	s6 =	simm.s32 @!p1 $0x1082;
	[sflag:s4] =	ssyncset.s32 $0xFFFFF086  }
0x25: {  	[simem:s6], [sflag:s4] =	dma.local [hbm:s3], $0xF7A  }
0x26: {  	[smem:$0x3F9F] =	sst s1;
	(tag) =	ssettag s2;
	_ =	strace s9  }
0x27: {  	s1 =	sld [smem:$0x3FAF]  }
0x28: {  	s2 =	sld [smem:$0x3FB0]  }
0x29: {  	s4 =	sld [smem:$0x3FB2]  }
0x2a: {  	p0 =	seq.s32 s5, $0x0;
	s5 =	sld [smem:$0x3FB3]  }
0x2b: {  	s6 =	sld [smem:$0x3FB4]  }
0x2c: {  	s7 =	sld [smem:$0x3FB5]  }
0x2d: {  	s3 =	simm.s32 $0x108;
	s8 =	sld [smem:$0x3FB6]  }
0x2e: {  	s3 =	simm.s32 @!p0 $0x1082;
	s9 =	sld [smem:$0x3FB7]  }
0x2f: {  	lr =	sadd.s32 s0, s3;
	s0 =	sld [smem:$0x3FAE]  }
0x30: {  	s3 =	sld [smem:$0x3FB1]  }
0x31: {  	[smem:$0x3FBA] =	sst s10  }
0x32: {  	s10 =	sld [smem:$0x3FB8];
	_ =	sdelay $0x3  }
0x33: {  	p0 =	seq.s32 s10, $0x1;
	s10 =	sld [smem:$0x3FBA];
	_ =	sdelay $0x3  }
0x34: {  	[smem:$0x3FBA] =	sst s10  }
0x35: {  	s10 =	sld [smem:$0x3FB9];
	_ =	sdelay $0x3  }
0x36: {  	p1 =	seq.s32 s10, $0x1;
	s10 =	sld [smem:$0x3FBA];
	_ =	sdelay $0x3  }
0x37: {  	[smem:$0x3FBA] =	sst s10  }
0x38: {  	s10 =	sld [smem:$0x3FBB]  }
0x39: {  	_ = 	snop;
	(pc) =	sbr.ind lr, $3  }
0x3a: {  	_ = 	snop  }
0x3b: {  	_ = 	snop  }
0x3c: {  	p2 =	seq.s32 s10, $0x1;
	s10 =	sld [smem:$0x3FBA]  }
0x3d: {  	_ =	shalt  }
0x3e: {  	_ =	shalt  }
0x3f: {  	_ =	shalt  }
0x40: {  	_ =	shalt  }
0x41: {  	_ =	shalt  }
0x42: {  	_ =	shalt  }
0x43: {  	_ =	shalt  }
0x44: {  	_ =	shalt  }
0x45: {  	_ =	shalt  }
0x46: {  	_ =	shalt  }
0x47: {  	_ =	shalt  }
0x48: {  	_ =	shalt  }
0x49: {  	_ =	shalt  }
0x4a: {  	_ =	shalt  }
0x4b: {  	_ =	shalt  }
0x4c: {  	_ =	shalt  }
0x4d: {  	_ =	shalt  }
0x4e: {  	_ =	shalt  }
0x4f: {  	_ =	shalt  }
0x50: {  	_ =	shalt  }
0x51: {  	_ =	shalt  }
0x52: {  	_ =	shalt  }
0x53: {  	_ =	shalt  }
0x54: {  	_ =	shalt  }
0x55: {  	_ =	shalt  }
0x56: {  	_ =	shalt  }
0x57: {  	_ =	shalt  }
0x58: {  	_ =	shalt  }
0x59: {  	_ =	shalt  }
0x5a: {  	_ =	shalt  }
0x5b: {  	_ =	shalt  }
0x5c: {  	_ =	shalt  }
0x5d: {  	_ =	shalt  }
0x5e: {  	_ =	shalt  }
0x5f: {  	_ =	shalt  }
0x60: {  	_ =	shalt  }
0x61: {  	_ =	shalt  }
0x62: {  	_ =	shalt  }
0x63: {  	_ =	shalt  }
0x64: {  	_ =	shalt  }
0x65: {  	_ =	shalt  }
0x66: {  	_ =	shalt  }
0x67: {  	_ =	shalt  }
0x68: {  	_ =	shalt  }
0x69: {  	_ =	shalt  }
0x6a: {  	_ =	shalt  }
0x6b: {  	_ =	shalt  }
0x6c: {  	_ =	shalt  }
0x6d: {  	_ =	shalt  }
0x6e: {  	_ =	shalt  }
0x6f: {  	_ =	shalt  }
0x70: {  	_ =	shalt  }
0x71: {  	_ =	shalt  }
0x72: {  	_ =	shalt  }
0x73: {  	_ =	shalt  }
0x74: {  	_ =	shalt  }
0x75: {  	_ =	shalt  }
0x76: {  	_ =	shalt  }
0x77: {  	_ =	shalt  }
0x78: {  	_ =	shalt  }
0x79: {  	_ =	shalt  }
0x7a: {  	_ =	shalt  }
0x7b: {  	_ =	shalt  }
0x7c: {  	_ =	shalt  }
0x7d: {  	_ =	shalt  }
0x7e: {  	_ =	shalt  }
0x7f: {  	_ =	shalt  }
0x80: {  	_ =	shalt  }
0x81: {  	_ =	shalt  }
0x82: {  	_ =	shalt  }
0x83: {  	_ =	shalt  }
0x84: {  	_ =	shalt  }
0x85: {  	_ =	shalt  }
0x86: {  	_ =	shalt  }
0x87: {  	_ =	shalt  }
.Lfunc_end0:
.L_simem_size_0:
called_computation_lowered:
.L_overlay_start_0:
0x88: {  	s2 =	sld [smem:$0x3FD9]  }
0x89: {  	s3 =	sld [smem:$0x3FFE];
	_ =	sdelay $0x1  }
0x8a: {  	s1 =	srdreg.scid  }
0x8b: {  	s0 =	sand.u32 $0x1, s1  }
0x8c: {  	s15 =	sshll.u32 s0, $0xA;
	s2 =	sadd.s32 s3, s2  }
0x8d: {  	s2 =	sadd.s32 s2, s15  }
0x8e: {  	[smem:$0x3FC6] =	sst s2  }
0x8f: {  	_ = 	snop  }
0x90: {  	s2 =	sld [smem:$0x3FD0];
	_ =	sdelay $0x2  }
0x91: {  	s4 =	simm.s32 $0xA;
	s5 =	simm.s32 $0x10;
	s16 =	sld [smem:$0x3FC8]  }
0x92: {  	[smem:s5], [sflag:s4] =	dma.local [hbm:s2], $0x1  }
0x93: {  	_ =	swait.eq [sflag:s4], $0x1  }
0x94: {  	[sflag:s4] =	ssyncset.done $0x0  }
0x95: {  	s17 =	sld [smem:$0x10];
	[sflag:s4] =	ssyncadd.s32 $0xFFFFFFFF  }
0x96: {  	s18 =	sld [smem:$0x12];
	(tm) =	ssettm $0x1  }
0x97: {  	s19 =	sld [smem:$0x3FFB];
	_ =	sdelay $0x3  }
0x98: {  	_ =	strace s19  }
0x99: {  	s5 =	sld [smem:$0x3FFC];
	_ =	sdelay $0x3  }
0x9a: {  	_ =	strace s5  }
0x9b: {  	s5 =	sld [smem:$0x3FFD];
	_ =	sdelay $0x3  }
0x9c: {  	_ =	strace s5  }
0x9d: {  	_ =	strace $0x8FFFFFFF  }
0x9e: {  	s20 =	sld [smem:$0x3FDB];
	_ =	sdelay $0x1  }
0x9f: {  	s6 =	simm.s32 $_scs_section_size  }
0xa0: {  	s7 =	simm.s32 $_size__tile_overlayer_lowered;
	s8 =	simm.s32 $_tile_overlayer_lowered  }
0xa1: {  	s23 =	simm.s32 $0x1BFF;
	s22 =	sshll.u32 s8, $0x1;
	s5 =	sadd.s32 s6, s20  }
0xa2: {  	s9 =	simm.s32 $0x0;
	s21 =	sshll.u32 s7, $0x1;
	s7 =	sadd.s32 s22, s5  }
0xa3: {  	[timem:s9], [sflag:s23] =	dma.local [hbm:s7], s21  }
0xa4: {  	_ =	swait.ge [sflag:s23], s21  }
0xa5: {  	s6 =	ssub.s32 $0x0, s21;
	[sflag:s23] =	ssyncset.done $0x0  }
0xa6: {  	[sflag:s23] =	ssyncadd.s32 s6;
	_ =	sdelay $0x1  }
0xa7: {  	s24 =	simm.s32 $0x1B8B  }
0xa8: {  	_ =	swait.ge [sflag:s24], $0x1  }
0xa9: {  	[sflag:s24] =	ssyncset.done $0x0  }
0xaa: {  	s25 =	simm.s32 $0x1B8E;
	[sflag:s24] =	ssyncadd.s32 $0xFFFFFFFF  }
0xab: {  	s26 =	simm.s32 $execute0_lowered;
	[smem:$0x3FD2] =	sst s25  }
0xac: {  	s6 =	sshll.u32 s26, $0x1;
	_ =	strace $0x80000046;
	[dreg:$0x1] =	wrdreg $0xFFFFFFFF  }
0xad: {  	s28 =	simm.s32 $_size_execute0_lowered;
	s5 =	sadd.s32 s5, s6;
	[dreg:$0x0] =	wrdreg $0x0  }
0xae: {  	s6 =	sshll.u32 s28, $0x1;
	[dreg:$0x2] =	wrdreg s5  }
0xaf: {  	[dreg:$0x3] =	wrdreg s6  }
0xb0: {  	[dreg:$0x4] =	wrdreg $0xC0  }
0xb1: {  	_ =	task [dreg:s9], $0x5FFFF  }
0xb2: {  	[dreg:$0x1] =	wrdreg $0xFFFFFFFF  }
0xb3: {  	[dreg:$0x0] =	wrdreg $0x60  }
0xb4: {  	[dreg:$0x2] =	wrdreg s16  }
0xb5: {  	[dreg:$0x3] =	wrdreg s18  }
0xb6: {  	[dreg:$0x4] =	wrdreg s17  }
0xb7: {  	[dreg:$0x5] =	wrdreg $0x9  }
0xb8: {  	_ =	task.clear_ibuf [dreg:s9], $0x6FFFF;
	_ =	strace $0x90000046  }
0xb9: {  	s29 =	simm.s32 $0x9;
	_ =	strace $0x80000048  }
0xba: {  	_ =	swait.ge [sflag:s29], $0x1  }
0xbb: {  	[sflag:s29] =	ssyncadd.s32 $0xFFFFFFFF  }
0xbc: {  	_ =	strace $0x90000048  }
0xbd: {  	_ =	sfence  }
0xbe: {  	s30 =	sld [smem:$0x0];
	_ =	sdelay $0x2  }
0xbf: {  	s31 =	sshll.u32 s1, $0xD;
	s1 =	sshrl.u32 s1, $0x2  }
0xc0: {  	s3 =	sand.u32 $0x4000, s31;
	s1 =	sadd.s32 s1, s30  }
0xc1: {  	s0 =	sor.u32 s3, s0;
	s1 =	sshll.u32 s1, $0x11  }
0xc2: {  	s0 =	sor.u32 s1, s0  }
0xc3: {  	s0 =	sadd.s32 $0x8F2B, s0  }
0xc4: {  	[sflag:s0] =	ssyncadd.remote.s32 $0x1  }
0xc5: {  	_ =	sfence.sel $0xFFFF  }
0xc6: {  	[dreg:$0x0] =	wrdreg $0xFFFFFFFF;
	(pc) =	sbr.abs _section_cstart, $3  }
0xc7: {  	[dreg:$0x1] =	wrdreg $0xFFFFFFFF  }
0xc8: {  	_ =	task.clear_ibuf [dreg:s9], $0x2FFFF;
	_ =	strace $0x9FFFFFFF  }
0xc9: {  	(tm) =	ssettm $0x7FFFFFFF  }
tec
execute0_lowered:
.L_overlay_start_1:
0x0: {  	(tag) =	ssettag $0x1  }
0x1: {  	s1 =	rddreg [dreg:$0x0]  }
0x2: {  	s10 =	rddreg [dreg:$0x1]  }
0x3: {  	s11 =	rddreg [dreg:$0x2]  }
0x4: {  	s0 =	rddreg [dreg:$0x3];
	s3 =	simm.s32 $0x0;
	s4 =	srdreg.scid  }
0x5: {  	s2 =	stileid.u32;
	s15 =	simm.s32 $0x880;
	s16 =	simm.s32 $0x1080  }
0x6: {  	s17 =	simm.s32 $0x1880;
	s18 =	simm.s32 $0x2080;
	s19 =	simm.s32 $0x2880  }
0x7: {  	s20 =	simm.s32 $0x3080;
	s21 =	simm.s32 $0x3880;
	s22 =	simm.s32 $0x4080  }
0x8: {  	s28 =	simm.s32 $0x6880;
	s29 =	simm.s32 $0x7080;
	s30 =	simm.s32 $0x7880  }
0x9: {  	s31 =	simm.s32 $0x1;
	[smem:$0x7FF] =	sst s3;
	s4 =	sand.u32 $0x1, s4  }
0xa: {  	s6 =	sshll.u32 s2, $0xA;
	s5 =	ssub.s32 $0x2, s4;
	s4 =	sshll.u32 s4, $0x9  }
0xb: {  	_ =	strace $0x80000047;
	s7 =	sshrl.u32 s5, $0x1;
	s9 =	sor.u32 s4, s6  }
0xc: {  	s12 =	ssub.s32 s5, s7;
	s4 =	sshrl.u32 s9, $0x3;
	s23 =	sshll.u32 s9, $0x5  }
0xd: {  	s6 =	sor.u32 $0x80, s9;
	s13 =	sor.u32 $0x100, s9;
	s14 =	sor.u32 $0x180, s9  }
0xe: {  	s4 =	sadd.s32 s10, s4;
	s5 =	sadd.s32 s11, s23;
	s24 =	sshrl.u32 s6, $0x3  }
0xf: {  	s8 =	sshll.u32 s6, $0x5;
	s25 =	sshrl.u32 s13, $0x3;
	s13 =	sshll.u32 s13, $0x5  }
0x10: {  	s26 =	sshrl.u32 s14, $0x3;
	s14 =	sshll.u32 s14, $0x5;
	s12 =	smax.u32 s12, $0x1  }
0x11: {  	s23 =	simm.s32 $0x4880;
	s6 =	sadd.s32 s10, s24;
	s7 =	sadd.s32 s11, s8  }
0x12: {  	v2 =	vlaneseq.u32;
	s8 =	sadd.s32 s10, s25;
	s9 =	sadd.s32 s11, s13;
	s10 =	sadd.s32 s10, s26  }
0x13: {  	vm0 =	vmmov $0xffff;
	v1 =	vshrl.u32 v2, $0x3;
	s11 =	sadd.s32 s11, s14;
	s13 =	simm.s32 $0x2;
	s14 =	simm.s32 $0x80  }
0x14: {  	v0 =	vand.u32 $0x7, v2;
	v2 =	vor.u32 $0x8, v2;
	v1 =	vmul.u32 $0x8, v1;
	s24 =	simm.s32 $0x5080;
	s25 =	simm.s32 $0x5880;
	s26 =	simm.s32 $0x6080  }
.LBB2_1:
0x15: {  	[tilespmem:s3], [sflag:$0x2] =	stream.linear.gather [hbm4b:s4+s3], $0x80, $0x38;
	[tilespmem:$0x8080] =	vst v63  }
0x16: {  	_ =	swait.ge [sflag:s13], $0x80  }
0x17: {  	[sflag:s13] =	ssyncset.done $0x0  }
0x18: {  	[sflag:s13] =	ssyncadd.s32 $0xFFFFFF80  }
0x19: {  	v3 =	vld [tilespmem:$0x0];
	_ =	sdelay $0x4  }
0x1a: {  	v4 =	vshll.u32 v3, $0x1  }
0x1b: {  	v3 =	vand.u32 $0x7, v3;
	v4 =	vand.u32 $0xFFFFFFF0, v4  }
0x1c: {  	v3 =	vor.u32 v3, v4  }
0x1d: {  	v4 =	vperm.xlane v3, v0;
	_ =	sdelay $0x1  }
0x1e: {  	v3 =	vperm.xlane v3, v2;
	v4 =	vadd.s32 v1, v4;
	_ =	sdelay $0x1  }
0x1f: {  	v3 =	vadd.s32 v1, v3;
	_ =	sdelay $0x2  }
0x20: {  	[tilespmem:s14], [sflag:$0x1] =	stream.indirect_vreg.gather [hbm4b:s1+s3], $0x80, v4, vm0, $0xb8;
	[tilespmem:$0x8080] =	vst v63  }
0x21: {  	_ = 	snop  }
0x22: {  	[tilespmem:s15], [sflag:$0x1] =	stream.indirect_vreg.gather [hbm4b:s1+s3], $0x80, v3, vm0, $0xb8;
	[tilespmem:$0x8080] =	vst v63  }
0x23: {  	v3 =	vld [tilespmem:$0x10];
	_ =	sdelay $0x4  }
0x24: {  	v33 =	vshll.u32 v3, $0x1  }
0x25: {  	v3 =	vand.u32 $0x7, v3;
	v4 =	vand.u32 $0xFFFFFFF0, v33  }
0x26: {  	v3 =	vor.u32 v3, v4  }
0x27: {  	v4 =	vperm.xlane v3, v0;
	_ =	sdelay $0x1  }
0x28: {  	v3 =	vperm.xlane v3, v2;
	v4 =	vadd.s32 v1, v4;
	_ =	sdelay $0x1  }
0x29: {  	v3 =	vadd.s32 v1, v3;
	_ =	sdelay $0x2  }
0x2a: {  	[tilespmem:s16], [sflag:$0x1] =	stream.indirect_vreg.gather [hbm4b:s1+s3], $0x80, v4, vm0, $0xb8;
	[tilespmem:$0x8080] =	vst v63  }
0x2b: {  	_ = 	snop  }
0x2c: {  	[tilespmem:s17], [sflag:$0x1] =	stream.indirect_vreg.gather [hbm4b:s1+s3], $0x80, v3, vm0, $0xb8;
	[tilespmem:$0x8080] =	vst v63  }
0x2d: {  	v3 =	vld [tilespmem:$0x20];
	_ =	sdelay $0x4  }
0x2e: {  	v34 =	vshll.u32 v3, $0x1  }
0x2f: {  	v3 =	vand.u32 $0x7, v3;
	v4 =	vand.u32 $0xFFFFFFF0, v34  }
0x30: {  	v3 =	vor.u32 v3, v4  }
0x31: {  	v4 =	vperm.xlane v3, v0;
	_ =	sdelay $0x1  }
0x32: {  	v3 =	vperm.xlane v3, v2;
	v4 =	vadd.s32 v1, v4;
	_ =	sdelay $0x1  }
0x33: {  	v3 =	vadd.s32 v1, v3;
	_ =	sdelay $0x2  }
0x34: {  	[tilespmem:s18], [sflag:$0x1] =	stream.indirect_vreg.gather [hbm4b:s1+s3], $0x80, v4, vm0, $0xb8;
	[tilespmem:$0x8080] =	vst v63  }
0x35: {  	_ = 	snop  }
0x36: {  	[tilespmem:s19], [sflag:$0x1] =	stream.indirect_vreg.gather [hbm4b:s1+s3], $0x80, v3, vm0, $0xb8;
	[tilespmem:$0x8080] =	vst v63  }
0x37: {  	v3 =	vld [tilespmem:$0x30];
	_ =	sdelay $0x4  }
0x38: {  	v35 =	vshll.u32 v3, $0x1  }
0x39: {  	v3 =	vand.u32 $0x7, v3;
	v4 =	vand.u32 $0xFFFFFFF0, v35  }
0x3a: {  	v3 =	vor.u32 v3, v4  }
0x3b: {  	v4 =	vperm.xlane v3, v0;
	_ =	sdelay $0x1  }
0x3c: {  	v3 =	vperm.xlane v3, v2;
	v4 =	vadd.s32 v1, v4;
	_ =	sdelay $0x1  }
0x3d: {  	v3 =	vadd.s32 v1, v3;
	_ =	sdelay $0x2  }
0x3e: {  	[tilespmem:s20], [sflag:$0x1] =	stream.indirect_vreg.gather [hbm4b:s1+s3], $0x80, v4, vm0, $0xb8;
	[tilespmem:$0x8080] =	vst v63  }
0x3f: {  	_ = 	snop  }
0x40: {  	[tilespmem:s21], [sflag:$0x1] =	stream.indirect_vreg.gather [hbm4b:s1+s3], $0x80, v3, vm0, $0xb8;
	[tilespmem:$0x8080] =	vst v63  }
0x41: {  	v3 =	vld [tilespmem:$0x40];
	_ =	sdelay $0x4  }
0x42: {  	v36 =	vshll.u32 v3, $0x1  }
0x43: {  	v3 =	vand.u32 $0x7, v3;
	v4 =	vand.u32 $0xFFFFFFF0, v36  }
0x44: {  	v3 =	vor.u32 v3, v4  }
0x45: {  	v4 =	vperm.xlane v3, v0;
	_ =	sdelay $0x1  }
0x46: {  	v3 =	vperm.xlane v3, v2;
	v4 =	vadd.s32 v1, v4;
	_ =	sdelay $0x1  }
0x47: {  	v3 =	vadd.s32 v1, v3;
	_ =	sdelay $0x2  }
0x48: {  	[tilespmem:s22], [sflag:$0x1] =	stream.indirect_vreg.gather [hbm4b:s1+s3], $0x80, v4, vm0, $0xb8;
	[tilespmem:$0x8080] =	vst v63  }
0x49: {  	_ = 	snop  }
0x4a: {  	[tilespmem:s23], [sflag:$0x1] =	stream.indirect_vreg.gather [hbm4b:s1+s3], $0x80, v3, vm0, $0xb8;
	[tilespmem:$0x8080] =	vst v63  }
0x4b: {  	v3 =	vld [tilespmem:$0x50];
	_ =	sdelay $0x4  }
0x4c: {  	v37 =	vshll.u32 v3, $0x1  }
0x4d: {  	v3 =	vand.u32 $0x7, v3;
	v4 =	vand.u32 $0xFFFFFFF0, v37  }
0x4e: {  	v3 =	vor.u32 v3, v4  }
0x4f: {  	v4 =	vperm.xlane v3, v0;
	_ =	sdelay $0x1  }
0x50: {  	v3 =	vperm.xlane v3, v2;
	v4 =	vadd.s32 v1, v4;
	_ =	sdelay $0x1  }
0x51: {  	v3 =	vadd.s32 v1, v3;
	_ =	sdelay $0x2  }
0x52: {  	[tilespmem:s24], [sflag:$0x1] =	stream.indirect_vreg.gather [hbm4b:s1+s3], $0x80, v4, vm0, $0xb8;
	[tilespmem:$0x8080] =	vst v63  }
0x53: {  	_ = 	snop  }
0x54: {  	[tilespmem:s25], [sflag:$0x1] =	stream.indirect_vreg.gather [hbm4b:s1+s3], $0x80, v3, vm0, $0xb8;
	[tilespmem:$0x8080] =	vst v63  }
0x55: {  	v3 =	vld [tilespmem:$0x60];
	_ =	sdelay $0x4  }
0x56: {  	v38 =	vshll.u32 v3, $0x1  }
0x57: {  	v3 =	vand.u32 $0x7, v3;
	v4 =	vand.u32 $0xFFFFFFF0, v38  }
0x58: {  	v3 =	vor.u32 v3, v4  }
0x59: {  	v4 =	vperm.xlane v3, v0;
	_ =	sdelay $0x1  }
0x5a: {  	v3 =	vperm.xlane v3, v2;
	v4 =	vadd.s32 v1, v4;
	_ =	sdelay $0x1  }
0x5b: {  	v3 =	vadd.s32 v1, v3;
	_ =	sdelay $0x2  }
0x5c: {  	[tilespmem:s26], [sflag:$0x1] =	stream.indirect_vreg.gather [hbm4b:s1+s3], $0x80, v4, vm0, $0xb8;
	[tilespmem:$0x8080] =	vst v63  }
0x5d: {  	_ = 	snop  }
0x5e: {  	[tilespmem:s28], [sflag:$0x1] =	stream.indirect_vreg.gather [hbm4b:s1+s3], $0x80, v3, vm0, $0xb8;
	[tilespmem:$0x8080] =	vst v63  }
0x5f: {  	v3 =	vld [tilespmem:$0x70];
	_ =	sdelay $0x4  }
0x60: {  	v39 =	vshll.u32 v3, $0x1  }
0x61: {  	v3 =	vand.u32 $0x7, v3;
	v4 =	vand.u32 $0xFFFFFFF0, v39  }
0x62: {  	v3 =	vor.u32 v3, v4  }
0x63: {  	v4 =	vperm.xlane v3, v0;
	_ =	sdelay $0x1  }
0x64: {  	v3 =	vperm.xlane v3, v2;
	v4 =	vadd.s32 v1, v4;
	_ =	sdelay $0x1  }
0x65: {  	v3 =	vadd.s32 v1, v3;
	_ =	sdelay $0x2  }
0x66: {  	[tilespmem:s29], [sflag:$0x1] =	stream.indirect_vreg.gather [hbm4b:s1+s3], $0x80, v4, vm0, $0xb8;
	[tilespmem:$0x8080] =	vst v63  }
0x67: {  	_ = 	snop  }
0x68: {  	[tilespmem:s30], [sflag:$0x1] =	stream.indirect_vreg.gather [hbm4b:s1+s3], $0x80, v3, vm0, $0xb8;
	[tilespmem:$0x8080] =	vst v63  }
0x69: {  	_ =	swait.ge [sflag:s31], $0x8000  }
0x6a: {  	[sflag:s31] =	ssyncset.done $0x0  }
0x6b: {  	[sflag:s31] =	ssyncadd.s32 $0xFFFF8000  }
0x6c: {  	[hbm4b:s5+s3] =	stream.linear.scatter [tilespmem:s14], [sflag:$0x2], $0x8000, $0x38;
	[tilespmem:$0x8080] =	vst v63  }
0x6d: {  	_ =	swait.ge [sflag:s13], $0x8000  }
0x6e: {  	[sflag:s13] =	ssyncset.done $0x0  }
0x6f: {  	[sflag:s13] =	ssyncadd.s32 $0xFFFF8000  }
0x70: {  	[tilespmem:s3], [sflag:$0x2] =	stream.linear.gather [hbm4b:s6+s3], $0x80, $0x38;
	[tilespmem:$0x8080] =	vst v63  }
0x71: {  	_ =	swait.ge [sflag:s13], $0x80  }
0x72: {  	[sflag:s13] =	ssyncset.done $0x0  }
0x73: {  	[sflag:s13] =	ssyncadd.s32 $0xFFFFFF80  }
0x74: {  	v3 =	vld [tilespmem:$0x0];
	_ =	sdelay $0x4  }
0x75: {  	v40 =	vshll.u32 v3, $0x1  }
0x76: {  	v3 =	vand.u32 $0x7, v3;
	v4 =	vand.u32 $0xFFFFFFF0, v40  }
0x77: {  	v3 =	vor.u32 v3, v4  }
0x78: {  	v4 =	vperm.xlane v3, v0;
	_ =	sdelay $0x1  }
0x79: {  	v3 =	vperm.xlane v3, v2;
	v4 =	vadd.s32 v1, v4;
	_ =	sdelay $0x1  }
0x7a: {  	v3 =	vadd.s32 v1, v3;
	_ =	sdelay $0x2  }
0x7b: {  	[tilespmem:s14], [sflag:$0x1] =	stream.indirect_vreg.gather [hbm4b:s1+s3], $0x80, v4, vm0, $0xb8;
	[tilespmem:$0x8080] =	vst v63  }
0x7c: {  	_ = 	snop  }
0x7d: {  	[tilespmem:s15], [sflag:$0x1] =	stream.indirect_vreg.gather [hbm4b:s1+s3], $0x80, v3, vm0, $0xb8;
	[tilespmem:$0x8080] =	vst v63  }
0x7e: {  	v3 =	vld [tilespmem:$0x10];
	_ =	sdelay $0x4  }
0x7f: {  	v41 =	vshll.u32 v3, $0x1  }
0x80: {  	v3 =	vand.u32 $0x7, v3;
	v4 =	vand.u32 $0xFFFFFFF0, v41  }
0x81: {  	v3 =	vor.u32 v3, v4  }
0x82: {  	v4 =	vperm.xlane v3, v0;
	_ =	sdelay $0x1  }
0x83: {  	v3 =	vperm.xlane v3, v2;
	v4 =	vadd.s32 v1, v4;
	_ =	sdelay $0x1  }
0x84: {  	v3 =	vadd.s32 v1, v3;
	_ =	sdelay $0x2  }
0x85: {  	[tilespmem:s16], [sflag:$0x1] =	stream.indirect_vreg.gather [hbm4b:s1+s3], $0x80, v4, vm0, $0xb8;
	[tilespmem:$0x8080] =	vst v63  }
0x86: {  	_ = 	snop  }
0x87: {  	[tilespmem:s17], [sflag:$0x1] =	stream.indirect_vreg.gather [hbm4b:s1+s3], $0x80, v3, vm0, $0xb8;
	[tilespmem:$0x8080] =	vst v63  }
0x88: {  	v3 =	vld [tilespmem:$0x20];
	_ =	sdelay $0x4  }
0x89: {  	v42 =	vshll.u32 v3, $0x1  }
0x8a: {  	v3 =	vand.u32 $0x7, v3;
	v4 =	vand.u32 $0xFFFFFFF0, v42  }
0x8b: {  	v3 =	vor.u32 v3, v4  }
0x8c: {  	v4 =	vperm.xlane v3, v0;
	_ =	sdelay $0x1  }
0x8d: {  	v3 =	vperm.xlane v3, v2;
	v4 =	vadd.s32 v1, v4;
	_ =	sdelay $0x1  }
0x8e: {  	v3 =	vadd.s32 v1, v3;
	_ =	sdelay $0x2  }
0x8f: {  	[tilespmem:s18], [sflag:$0x1] =	stream.indirect_vreg.gather [hbm4b:s1+s3], $0x80, v4, vm0, $0xb8;
	[tilespmem:$0x8080] =	vst v63  }
0x90: {  	_ = 	snop  }
0x91: {  	[tilespmem:s19], [sflag:$0x1] =	stream.indirect_vreg.gather [hbm4b:s1+s3], $0x80, v3, vm0, $0xb8;
	[tilespmem:$0x8080] =	vst v63  }
0x92: {  	v3 =	vld [tilespmem:$0x30];
	_ =	sdelay $0x4  }
0x93: {  	v43 =	vshll.u32 v3, $0x1  }
0x94: {  	v3 =	vand.u32 $0x7, v3;
	v4 =	vand.u32 $0xFFFFFFF0, v43  }
0x95: {  	v3 =	vor.u32 v3, v4  }
0x96: {  	v4 =	vperm.xlane v3, v0;
	_ =	sdelay $0x1  }
0x97: {  	v3 =	vperm.xlane v3, v2;
	v4 =	vadd.s32 v1, v4;
	_ =	sdelay $0x1  }
0x98: {  	v3 =	vadd.s32 v1, v3;
	_ =	sdelay $0x2  }
0x99: {  	[tilespmem:s20], [sflag:$0x1] =	stream.indirect_vreg.gather [hbm4b:s1+s3], $0x80, v4, vm0, $0xb8;
	[tilespmem:$0x8080] =	vst v63  }
0x9a: {  	_ = 	snop  }
0x9b: {  	[tilespmem:s21], [sflag:$0x1] =	stream.indirect_vreg.gather [hbm4b:s1+s3], $0x80, v3, vm0, $0xb8;
	[tilespmem:$0x8080] =	vst v63  }
0x9c: {  	v3 =	vld [tilespmem:$0x40];
	_ =	sdelay $0x4  }
0x9d: {  	v44 =	vshll.u32 v3, $0x1  }
0x9e: {  	v3 =	vand.u32 $0x7, v3;
	v4 =	vand.u32 $0xFFFFFFF0, v44  }
0x9f: {  	v3 =	vor.u32 v3, v4  }
0xa0: {  	v4 =	vperm.xlane v3, v0;
	_ =	sdelay $0x1  }
0xa1: {  	v3 =	vperm.xlane v3, v2;
	v4 =	vadd.s32 v1, v4;
	_ =	sdelay $0x1  }
0xa2: {  	v3 =	vadd.s32 v1, v3;
	_ =	sdelay $0x2  }
0xa3: {  	[tilespmem:s22], [sflag:$0x1] =	stream.indirect_vreg.gather [hbm4b:s1+s3], $0x80, v4, vm0, $0xb8;
	[tilespmem:$0x8080] =	vst v63  }
0xa4: {  	_ = 	snop  }
0xa5: {  	[tilespmem:s23], [sflag:$0x1] =	stream.indirect_vreg.gather [hbm4b:s1+s3], $0x80, v3, vm0, $0xb8;
	[tilespmem:$0x8080] =	vst v63  }
0xa6: {  	v3 =	vld [tilespmem:$0x50];
	_ =	sdelay $0x4  }
0xa7: {  	v45 =	vshll.u32 v3, $0x1  }
0xa8: {  	v3 =	vand.u32 $0x7, v3;
	v4 =	vand.u32 $0xFFFFFFF0, v45  }
0xa9: {  	v3 =	vor.u32 v3, v4  }
0xaa: {  	v4 =	vperm.xlane v3, v0;
	_ =	sdelay $0x1  }
0xab: {  	v3 =	vperm.xlane v3, v2;
	v4 =	vadd.s32 v1, v4;
	_ =	sdelay $0x1  }
0xac: {  	v3 =	vadd.s32 v1, v3;
	_ =	sdelay $0x2  }
0xad: {  	[tilespmem:s24], [sflag:$0x1] =	stream.indirect_vreg.gather [hbm4b:s1+s3], $0x80, v4, vm0, $0xb8;
	[tilespmem:$0x8080] =	vst v63  }
0xae: {  	_ = 	snop  }
0xaf: {  	[tilespmem:s25], [sflag:$0x1] =	stream.indirect_vreg.gather [hbm4b:s1+s3], $0x80, v3, vm0, $0xb8;
	[tilespmem:$0x8080] =	vst v63  }
0xb0: {  	v3 =	vld [tilespmem:$0x60];
	_ =	sdelay $0x4  }
0xb1: {  	v46 =	vshll.u32 v3, $0x1  }
0xb2: {  	v3 =	vand.u32 $0x7, v3;
	v4 =	vand.u32 $0xFFFFFFF0, v46  }
0xb3: {  	v3 =	vor.u32 v3, v4  }
0xb4: {  	v4 =	vperm.xlane v3, v0;
	_ =	sdelay $0x1  }
0xb5: {  	v3 =	vperm.xlane v3, v2;
	v4 =	vadd.s32 v1, v4;
	_ =	sdelay $0x1  }
0xb6: {  	v3 =	vadd.s32 v1, v3;
	_ =	sdelay $0x2  }
0xb7: {  	[tilespmem:s26], [sflag:$0x1] =	stream.indirect_vreg.gather [hbm4b:s1+s3], $0x80, v4, vm0, $0xb8;
	[tilespmem:$0x8080] =	vst v63  }
0xb8: {  	_ = 	snop  }
0xb9: {  	[tilespmem:s28], [sflag:$0x1] =	stream.indirect_vreg.gather [hbm4b:s1+s3], $0x80, v3, vm0, $0xb8;
	[tilespmem:$0x8080] =	vst v63  }
0xba: {  	v3 =	vld [tilespmem:$0x70];
	_ =	sdelay $0x4  }
0xbb: {  	v47 =	vshll.u32 v3, $0x1  }
0xbc: {  	v3 =	vand.u32 $0x7, v3;
	v4 =	vand.u32 $0xFFFFFFF0, v47  }
0xbd: {  	v3 =	vor.u32 v3, v4  }
0xbe: {  	v4 =	vperm.xlane v3, v0;
	_ =	sdelay $0x1  }
0xbf: {  	v3 =	vperm.xlane v3, v2;
	v4 =	vadd.s32 v1, v4;
	_ =	sdelay $0x1  }
0xc0: {  	v3 =	vadd.s32 v1, v3;
	_ =	sdelay $0x2  }
0xc1: {  	[tilespmem:s29], [sflag:$0x1] =	stream.indirect_vreg.gather [hbm4b:s1+s3], $0x80, v4, vm0, $0xb8;
	[tilespmem:$0x8080] =	vst v63  }
0xc2: {  	_ = 	snop  }
0xc3: {  	[tilespmem:s30], [sflag:$0x1] =	stream.indirect_vreg.gather [hbm4b:s1+s3], $0x80, v3, vm0, $0xb8;
	[tilespmem:$0x8080] =	vst v63  }
0xc4: {  	_ =	swait.ge [sflag:s31], $0x8000  }
0xc5: {  	[sflag:s31] =	ssyncset.done $0x0  }
0xc6: {  	[sflag:s31] =	ssyncadd.s32 $0xFFFF8000  }
0xc7: {  	[hbm4b:s7+s3] =	stream.linear.scatter [tilespmem:s14], [sflag:$0x2], $0x8000, $0x38;
	[tilespmem:$0x8080] =	vst v63  }
0xc8: {  	_ =	swait.ge [sflag:s13], $0x8000  }
0xc9: {  	[sflag:s13] =	ssyncset.done $0x0  }
0xca: {  	[sflag:s13] =	ssyncadd.s32 $0xFFFF8000  }
0xcb: {  	[tilespmem:s3], [sflag:$0x2] =	stream.linear.gather [hbm4b:s8+s3], $0x80, $0x38;
	[tilespmem:$0x8080] =	vst v63  }
0xcc: {  	_ =	swait.ge [sflag:s13], $0x80  }
0xcd: {  	[sflag:s13] =	ssyncset.done $0x0  }
0xce: {  	[sflag:s13] =	ssyncadd.s32 $0xFFFFFF80  }
0xcf: {  	v3 =	vld [tilespmem:$0x0];
	_ =	sdelay $0x4  }
0xd0: {  	v48 =	vshll.u32 v3, $0x1  }
0xd1: {  	v3 =	vand.u32 $0x7, v3;
	v4 =	vand.u32 $0xFFFFFFF0, v48  }
0xd2: {  	v3 =	vor.u32 v3, v4  }
0xd3: {  	v4 =	vperm.xlane v3, v0;
	_ =	sdelay $0x1  }
0xd4: {  	v3 =	vperm.xlane v3, v2;
	v4 =	vadd.s32 v1, v4;
	_ =	sdelay $0x1  }
0xd5: {  	v3 =	vadd.s32 v1, v3;
	_ =	sdelay $0x2  }
0xd6: {  	[tilespmem:s14], [sflag:$0x1] =	stream.indirect_vreg.gather [hbm4b:s1+s3], $0x80, v4, vm0, $0xb8;
	[tilespmem:$0x8080] =	vst v63  }
0xd7: {  	_ = 	snop  }
0xd8: {  	[tilespmem:s15], [sflag:$0x1] =	stream.indirect_vreg.gather [hbm4b:s1+s3], $0x80, v3, vm0, $0xb8;
	[tilespmem:$0x8080] =	vst v63  }
0xd9: {  	v3 =	vld [tilespmem:$0x10];
	_ =	sdelay $0x4  }
0xda: {  	v49 =	vshll.u32 v3, $0x1  }
0xdb: {  	v3 =	vand.u32 $0x7, v3;
	v4 =	vand.u32 $0xFFFFFFF0, v49  }
0xdc: {  	v3 =	vor.u32 v3, v4  }
0xdd: {  	v4 =	vperm.xlane v3, v0;
	_ =	sdelay $0x1  }
0xde: {  	v3 =	vperm.xlane v3, v2;
	v4 =	vadd.s32 v1, v4;
	_ =	sdelay $0x1  }
0xdf: {  	v3 =	vadd.s32 v1, v3;
	_ =	sdelay $0x2  }
0xe0: {  	[tilespmem:s16], [sflag:$0x1] =	stream.indirect_vreg.gather [hbm4b:s1+s3], $0x80, v4, vm0, $0xb8;
	[tilespmem:$0x8080] =	vst v63  }
0xe1: {  	_ = 	snop  }
0xe2: {  	[tilespmem:s17], [sflag:$0x1] =	stream.indirect_vreg.gather [hbm4b:s1+s3], $0x80, v3, vm0, $0xb8;
	[tilespmem:$0x8080] =	vst v63  }
0xe3: {  	v3 =	vld [tilespmem:$0x20];
	_ =	sdelay $0x4  }
0xe4: {  	v50 =	vshll.u32 v3, $0x1  }
0xe5: {  	v3 =	vand.u32 $0x7, v3;
	v4 =	vand.u32 $0xFFFFFFF0, v50  }
0xe6: {  	v3 =	vor.u32 v3, v4  }
0xe7: {  	v4 =	vperm.xlane v3, v0;
	_ =	sdelay $0x1  }
0xe8: {  	v3 =	vperm.xlane v3, v2;
	v4 =	vadd.s32 v1, v4;
	_ =	sdelay $0x1  }
0xe9: {  	v3 =	vadd.s32 v1, v3;
	_ =	sdelay $0x2  }
0xea: {  	[tilespmem:s18], [sflag:$0x1] =	stream.indirect_vreg.gather [hbm4b:s1+s3], $0x80, v4, vm0, $0xb8;
	[tilespmem:$0x8080] =	vst v63  }
0xeb: {  	_ = 	snop  }
0xec: {  	[tilespmem:s19], [sflag:$0x1] =	stream.indirect_vreg.gather [hbm4b:s1+s3], $0x80, v3, vm0, $0xb8;
	[tilespmem:$0x8080] =	vst v63  }
0xed: {  	v3 =	vld [tilespmem:$0x30];
	_ =	sdelay $0x4  }
0xee: {  	v51 =	vshll.u32 v3, $0x1  }
0xef: {  	v3 =	vand.u32 $0x7, v3;
	v4 =	vand.u32 $0xFFFFFFF0, v51  }
0xf0: {  	v3 =	vor.u32 v3, v4  }
0xf1: {  	v4 =	vperm.xlane v3, v0;
	_ =	sdelay $0x1  }
0xf2: {  	v3 =	vperm.xlane v3, v2;
	v4 =	vadd.s32 v1, v4;
	_ =	sdelay $0x1  }
0xf3: {  	v3 =	vadd.s32 v1, v3;
	_ =	sdelay $0x2  }
0xf4: {  	[tilespmem:s20], [sflag:$0x1] =	stream.indirect_vreg.gather [hbm4b:s1+s3], $0x80, v4, vm0, $0xb8;
	[tilespmem:$0x8080] =	vst v63  }
0xf5: {  	_ = 	snop  }
0xf6: {  	[tilespmem:s21], [sflag:$0x1] =	stream.indirect_vreg.gather [hbm4b:s1+s3], $0x80, v3, vm0, $0xb8;
	[tilespmem:$0x8080] =	vst v63  }
0xf7: {  	v3 =	vld [tilespmem:$0x40];
	_ =	sdelay $0x4  }
0xf8: {  	v52 =	vshll.u32 v3, $0x1  }
0xf9: {  	v3 =	vand.u32 $0x7, v3;
	v4 =	vand.u32 $0xFFFFFFF0, v52  }
0xfa: {  	v3 =	vor.u32 v3, v4  }
0xfb: {  	v4 =	vperm.xlane v3, v0;
	_ =	sdelay $0x1  }
0xfc: {  	v3 =	vperm.xlane v3, v2;
	v4 =	vadd.s32 v1, v4;
	_ =	sdelay $0x1  }
0xfd: {  	v3 =	vadd.s32 v1, v3;
	_ =	sdelay $0x2  }
0xfe: {  	[tilespmem:s22], [sflag:$0x1] =	stream.indirect_vreg.gather [hbm4b:s1+s3], $0x80, v4, vm0, $0xb8;
	[tilespmem:$0x8080] =	vst v63  }
0xff: {  	_ = 	snop  }
0x100: {  	[tilespmem:s23], [sflag:$0x1] =	stream.indirect_vreg.gather [hbm4b:s1+s3], $0x80, v3, vm0, $0xb8;
	[tilespmem:$0x8080] =	vst v63  }
0x101: {  	v3 =	vld [tilespmem:$0x50];
	_ =	sdelay $0x4  }
0x102: {  	v53 =	vshll.u32 v3, $0x1  }
0x103: {  	v3 =	vand.u32 $0x7, v3;
	v4 =	vand.u32 $0xFFFFFFF0, v53  }
0x104: {  	v3 =	vor.u32 v3, v4  }
0x105: {  	v4 =	vperm.xlane v3, v0;
	_ =	sdelay $0x1  }
0x106: {  	v3 =	vperm.xlane v3, v2;
	v4 =	vadd.s32 v1, v4;
	_ =	sdelay $0x1  }
0x107: {  	v3 =	vadd.s32 v1, v3;
	_ =	sdelay $0x2  }
0x108: {  	[tilespmem:s24], [sflag:$0x1] =	stream.indirect_vreg.gather [hbm4b:s1+s3], $0x80, v4, vm0, $0xb8;
	[tilespmem:$0x8080] =	vst v63  }
0x109: {  	_ = 	snop  }
0x10a: {  	[tilespmem:s25], [sflag:$0x1] =	stream.indirect_vreg.gather [hbm4b:s1+s3], $0x80, v3, vm0, $0xb8;
	[tilespmem:$0x8080] =	vst v63  }
0x10b: {  	v3 =	vld [tilespmem:$0x60];
	_ =	sdelay $0x4  }
0x10c: {  	v54 =	vshll.u32 v3, $0x1  }
0x10d: {  	v3 =	vand.u32 $0x7, v3;
	v4 =	vand.u32 $0xFFFFFFF0, v54  }
0x10e: {  	v3 =	vor.u32 v3, v4  }
0x10f: {  	v4 =	vperm.xlane v3, v0;
	_ =	sdelay $0x1  }
0x110: {  	v3 =	vperm.xlane v3, v2;
	v4 =	vadd.s32 v1, v4;
	_ =	sdelay $0x1  }
0x111: {  	v3 =	vadd.s32 v1, v3;
	_ =	sdelay $0x2  }
0x112: {  	[tilespmem:s26], [sflag:$0x1] =	stream.indirect_vreg.gather [hbm4b:s1+s3], $0x80, v4, vm0, $0xb8;
	[tilespmem:$0x8080] =	vst v63  }
0x113: {  	_ = 	snop  }
0x114: {  	[tilespmem:s28], [sflag:$0x1] =	stream.indirect_vreg.gather [hbm4b:s1+s3], $0x80, v3, vm0, $0xb8;
	[tilespmem:$0x8080] =	vst v63  }
0x115: {  	v3 =	vld [tilespmem:$0x70];
	_ =	sdelay $0x4  }
0x116: {  	v55 =	vshll.u32 v3, $0x1  }
0x117: {  	v3 =	vand.u32 $0x7, v3;
	v4 =	vand.u32 $0xFFFFFFF0, v55  }
0x118: {  	v3 =	vor.u32 v3, v4  }
0x119: {  	v4 =	vperm.xlane v3, v0;
	_ =	sdelay $0x1  }
0x11a: {  	v3 =	vperm.xlane v3, v2;
	v4 =	vadd.s32 v1, v4;
	_ =	sdelay $0x1  }
0x11b: {  	v3 =	vadd.s32 v1, v3;
	_ =	sdelay $0x2  }
0x11c: {  	[tilespmem:s29], [sflag:$0x1] =	stream.indirect_vreg.gather [hbm4b:s1+s3], $0x80, v4, vm0, $0xb8;
	[tilespmem:$0x8080] =	vst v63  }
0x11d: {  	_ = 	snop  }
0x11e: {  	[tilespmem:s30], [sflag:$0x1] =	stream.indirect_vreg.gather [hbm4b:s1+s3], $0x80, v3, vm0, $0xb8;
	[tilespmem:$0x8080] =	vst v63  }
0x11f: {  	_ =	swait.ge [sflag:s31], $0x8000  }
0x120: {  	[sflag:s31] =	ssyncset.done $0x0  }
0x121: {  	[sflag:s31] =	ssyncadd.s32 $0xFFFF8000  }
0x122: {  	[hbm4b:s9+s3] =	stream.linear.scatter [tilespmem:s14], [sflag:$0x2], $0x8000, $0x38;
	[tilespmem:$0x8080] =	vst v63  }
0x123: {  	_ =	swait.ge [sflag:s13], $0x8000  }
0x124: {  	[sflag:s13] =	ssyncset.done $0x0  }
0x125: {  	[sflag:s13] =	ssyncadd.s32 $0xFFFF8000  }
0x126: {  	[tilespmem:s3], [sflag:$0x2] =	stream.linear.gather [hbm4b:s10+s3], $0x80, $0x38;
	[tilespmem:$0x8080] =	vst v63  }
0x127: {  	_ =	swait.ge [sflag:s13], $0x80  }
0x128: {  	[sflag:s13] =	ssyncset.done $0x0  }
0x129: {  	[sflag:s13] =	ssyncadd.s32 $0xFFFFFF80  }
0x12a: {  	v3 =	vld [tilespmem:$0x0];
	_ =	sdelay $0x4  }
0x12b: {  	v56 =	vshll.u32 v3, $0x1  }
0x12c: {  	v3 =	vand.u32 $0x7, v3;
	v4 =	vand.u32 $0xFFFFFFF0, v56  }
0x12d: {  	v3 =	vor.u32 v3, v4  }
0x12e: {  	v4 =	vperm.xlane v3, v0;
	_ =	sdelay $0x1  }
0x12f: {  	v3 =	vperm.xlane v3, v2;
	v4 =	vadd.s32 v1, v4;
	_ =	sdelay $0x1  }
0x130: {  	v3 =	vadd.s32 v1, v3;
	_ =	sdelay $0x2  }
0x131: {  	[tilespmem:s14], [sflag:$0x1] =	stream.indirect_vreg.gather [hbm4b:s1+s3], $0x80, v4, vm0, $0xb8;
	[tilespmem:$0x8080] =	vst v63  }
0x132: {  	_ = 	snop  }
0x133: {  	[tilespmem:s15], [sflag:$0x1] =	stream.indirect_vreg.gather [hbm4b:s1+s3], $0x80, v3, vm0, $0xb8;
	[tilespmem:$0x8080] =	vst v63  }
0x134: {  	v3 =	vld [tilespmem:$0x10];
	_ =	sdelay $0x4  }
0x135: {  	v57 =	vshll.u32 v3, $0x1  }
0x136: {  	v3 =	vand.u32 $0x7, v3;
	v4 =	vand.u32 $0xFFFFFFF0, v57  }
0x137: {  	v3 =	vor.u32 v3, v4  }
0x138: {  	v4 =	vperm.xlane v3, v0;
	_ =	sdelay $0x1  }
0x139: {  	v3 =	vperm.xlane v3, v2;
	v4 =	vadd.s32 v1, v4;
	_ =	sdelay $0x1  }
0x13a: {  	v3 =	vadd.s32 v1, v3;
	_ =	sdelay $0x2  }
0x13b: {  	[tilespmem:s16], [sflag:$0x1] =	stream.indirect_vreg.gather [hbm4b:s1+s3], $0x80, v4, vm0, $0xb8;
	[tilespmem:$0x8080] =	vst v63  }
0x13c: {  	_ = 	snop  }
0x13d: {  	[tilespmem:s17], [sflag:$0x1] =	stream.indirect_vreg.gather [hbm4b:s1+s3], $0x80, v3, vm0, $0xb8;
	[tilespmem:$0x8080] =	vst v63  }
0x13e: {  	v3 =	vld [tilespmem:$0x20];
	_ =	sdelay $0x4  }
0x13f: {  	v58 =	vshll.u32 v3, $0x1  }
0x140: {  	v3 =	vand.u32 $0x7, v3;
	v4 =	vand.u32 $0xFFFFFFF0, v58  }
0x141: {  	v3 =	vor.u32 v3, v4  }
0x142: {  	v4 =	vperm.xlane v3, v0;
	_ =	sdelay $0x1  }
0x143: {  	v3 =	vperm.xlane v3, v2;
	v4 =	vadd.s32 v1, v4;
	_ =	sdelay $0x1  }
0x144: {  	v3 =	vadd.s32 v1, v3;
	_ =	sdelay $0x2  }
0x145: {  	[tilespmem:s18], [sflag:$0x1] =	stream.indirect_vreg.gather [hbm4b:s1+s3], $0x80, v4, vm0, $0xb8;
	[tilespmem:$0x8080] =	vst v63  }
0x146: {  	_ = 	snop  }
0x147: {  	[tilespmem:s19], [sflag:$0x1] =	stream.indirect_vreg.gather [hbm4b:s1+s3], $0x80, v3, vm0, $0xb8;
	[tilespmem:$0x8080] =	vst v63  }
0x148: {  	v3 =	vld [tilespmem:$0x30];
	_ =	sdelay $0x4  }
0x149: {  	v59 =	vshll.u32 v3, $0x1  }
0x14a: {  	v3 =	vand.u32 $0x7, v3;
	v4 =	vand.u32 $0xFFFFFFF0, v59  }
0x14b: {  	v3 =	vor.u32 v3, v4  }
0x14c: {  	v4 =	vperm.xlane v3, v0;
	_ =	sdelay $0x1  }
0x14d: {  	v3 =	vperm.xlane v3, v2;
	v4 =	vadd.s32 v1, v4;
	_ =	sdelay $0x1  }
0x14e: {  	v3 =	vadd.s32 v1, v3;
	_ =	sdelay $0x2  }
0x14f: {  	[tilespmem:s20], [sflag:$0x1] =	stream.indirect_vreg.gather [hbm4b:s1+s3], $0x80, v4, vm0, $0xb8;
	[tilespmem:$0x8080] =	vst v63  }
0x150: {  	_ = 	snop  }
0x151: {  	[tilespmem:s21], [sflag:$0x1] =	stream.indirect_vreg.gather [hbm4b:s1+s3], $0x80, v3, vm0, $0xb8;
	[tilespmem:$0x8080] =	vst v63  }
0x152: {  	v3 =	vld [tilespmem:$0x40];
	_ =	sdelay $0x4  }
0x153: {  	v60 =	vshll.u32 v3, $0x1  }
0x154: {  	v3 =	vand.u32 $0x7, v3;
	v4 =	vand.u32 $0xFFFFFFF0, v60  }
0x155: {  	v3 =	vor.u32 v3, v4  }
0x156: {  	v4 =	vperm.xlane v3, v0;
	_ =	sdelay $0x1  }
0x157: {  	v3 =	vperm.xlane v3, v2;
	v4 =	vadd.s32 v1, v4;
	_ =	sdelay $0x1  }
0x158: {  	v3 =	vadd.s32 v1, v3;
	_ =	sdelay $0x2  }
0x159: {  	[tilespmem:s22], [sflag:$0x1] =	stream.indirect_vreg.gather [hbm4b:s1+s3], $0x80, v4, vm0, $0xb8;
	[tilespmem:$0x8080] =	vst v63  }
0x15a: {  	_ = 	snop  }
0x15b: {  	[tilespmem:s23], [sflag:$0x1] =	stream.indirect_vreg.gather [hbm4b:s1+s3], $0x80, v3, vm0, $0xb8;
	[tilespmem:$0x8080] =	vst v63  }
0x15c: {  	v3 =	vld [tilespmem:$0x50];
	_ =	sdelay $0x4  }
0x15d: {  	v61 =	vshll.u32 v3, $0x1  }
0x15e: {  	v3 =	vand.u32 $0x7, v3;
	v4 =	vand.u32 $0xFFFFFFF0, v61  }
0x15f: {  	v3 =	vor.u32 v3, v4  }
0x160: {  	v4 =	vperm.xlane v3, v0;
	_ =	sdelay $0x1  }
0x161: {  	v3 =	vperm.xlane v3, v2;
	v4 =	vadd.s32 v1, v4;
	_ =	sdelay $0x1  }
0x162: {  	v3 =	vadd.s32 v1, v3;
	_ =	sdelay $0x2  }
0x163: {  	[tilespmem:s24], [sflag:$0x1] =	stream.indirect_vreg.gather [hbm4b:s1+s3], $0x80, v4, vm0, $0xb8;
	[tilespmem:$0x8080] =	vst v63  }
0x164: {  	_ = 	snop  }
0x165: {  	[tilespmem:s25], [sflag:$0x1] =	stream.indirect_vreg.gather [hbm4b:s1+s3], $0x80, v3, vm0, $0xb8;
	[tilespmem:$0x8080] =	vst v63  }
0x166: {  	v3 =	vld [tilespmem:$0x60];
	_ =	sdelay $0x4  }
0x167: {  	v62 =	vshll.u32 v3, $0x1  }
0x168: {  	v3 =	vand.u32 $0x7, v3;
	v4 =	vand.u32 $0xFFFFFFF0, v62  }
0x169: {  	v3 =	vor.u32 v3, v4  }
0x16a: {  	v4 =	vperm.xlane v3, v0;
	_ =	sdelay $0x1  }
0x16b: {  	v3 =	vperm.xlane v3, v2;
	v4 =	vadd.s32 v1, v4;
	_ =	sdelay $0x1  }
0x16c: {  	v3 =	vadd.s32 v1, v3;
	_ =	sdelay $0x2  }
0x16d: {  	[tilespmem:s26], [sflag:$0x1] =	stream.indirect_vreg.gather [hbm4b:s1+s3], $0x80, v4, vm0, $0xb8;
	[tilespmem:$0x8080] =	vst v63  }
0x16e: {  	_ = 	snop  }
0x16f: {  	[tilespmem:s28], [sflag:$0x1] =	stream.indirect_vreg.gather [hbm4b:s1+s3], $0x80, v3, vm0, $0xb8;
	[tilespmem:$0x8080] =	vst v63  }
0x170: {  	v3 =	vld [tilespmem:$0x70];
	_ =	sdelay $0x4  }
0x171: {  	v63 =	vshll.u32 v3, $0x1  }
0x172: {  	v3 =	vand.u32 $0x7, v3;
	v4 =	vand.u32 $0xFFFFFFF0, v63  }
0x173: {  	v3 =	vor.u32 v3, v4  }
0x174: {  	v4 =	vperm.xlane v3, v0;
	_ =	sdelay $0x1  }
0x175: {  	v3 =	vperm.xlane v3, v2;
	v4 =	vadd.s32 v1, v4;
	_ =	sdelay $0x1  }
0x176: {  	v3 =	vadd.s32 v1, v3;
	_ =	sdelay $0x2  }
0x177: {  	[tilespmem:s29], [sflag:$0x1] =	stream.indirect_vreg.gather [hbm4b:s1+s3], $0x80, v4, vm0, $0xb8;
	[tilespmem:$0x8080] =	vst v63  }
0x178: {  	_ = 	snop  }
0x179: {  	[tilespmem:s30], [sflag:$0x1] =	stream.indirect_vreg.gather [hbm4b:s1+s3], $0x80, v3, vm0, $0xb8;
	[tilespmem:$0x8080] =	vst v63  }
0x17a: {  	_ =	swait.ge [sflag:s31], $0x8000  }
0x17b: {  	p0 =	sne.s32 s12, $0x1;
	[sflag:s31] =	ssyncset.done $0x0  }
.Ltmp0:
0x17c: {  	[sflag:s31] =	ssyncadd.s32 $0xFFFF8000;
	(pc) =	sbr.rel @p0 .LBB2_1-.Ltmp0, $4  }
0x17d: {  	[hbm4b:s11+s3] =	stream.linear.scatter [tilespmem:s14], [sflag:$0x2], $0x8000, $0x38;
	[tilespmem:$0x8080] =	vst v63  }
0x17e: {  	_ =	swait.ge [sflag:s13], $0x8000  }
0x17f: {  	[sflag:s13] =	ssyncset.done $0x0  }
0x180: {  	s12 =	sadd.s32 $0xFFFFFFFF, s12;
	[sflag:s13] =	ssyncadd.s32 $0xFFFF8000  }
0x181: {  	_ =	sfence.sel $0x180000  }
0x182: {  	[bflag:$0x0] =	sbarrier.arrive $0xFFFF  }
0x183: {  	p0 =	sne.s32 s2, $0x0;
	_ =	strace $0x90000047  }
0x184: {  	s0 =	sadd.s32 @!p0 $0x100000, s0;
	[bflag:$0x2] =	sbarrier.arrive $0xFFFF  }
0x185: {  	[sflag:s0] =	ssyncadd.tile.s32 @!p0 $0x1;
	_ =	shalt  }
.Lfunc_end2:
_tile_overlayer_lowered:
.L_overlay_start_2:
0x186: {  	(tag) =	ssettag $0x2  }
0x187: {  	s0 =	rddreg [dreg:$0x0];
	s2 =	stileid.u32  }
0x188: {  	s1 =	rddreg [dreg:$0x1];
	p0 =	sne.s32 s2, $0x0  }
0x189: {  	s3 =	rddreg [dreg:$0x2];
	[bflag:$0x3] =	sbarrier.arrive $0xFFFF;
	s2 =	simm.s32 @!p0 $0x1C02  }
0x18a: {  	[timem:s3], [sflag:s2] =	dma.local @!p0 [hbm:s0], s1  }
0x18b: {  	s0 =	simm.s32 @!p0 $0x2  }
0x18c: {  	_ =	swait.ge @!p0 [sflag:s0], s1  }
0x18d: {  	s1 =	ssub.s32 @!p0 $0x0, s1;
	[sflag:s0] =	ssyncset.done @!p0 $0x0  }
0x18e: {  	[sflag:s0] =	ssyncadd.s32 @!p0 s1  }
0x18f: {  	[bflag:$0x3] =	sbarrier.arrive $0xFFFF  }
0x190: {  	_ =	shalt  }

</sc_bundles>
